<compile_context>
chip_gen: v7x
topology: tpu7x:2x2x1
jax: 0.10.2.dev20260603
libtpu: 0.0.44.dev20260713+nightly
codegen_flags: <defaults>
</compile_context>

<pallas_src>
import functools

import jax
import jax.numpy as jnp
from jax import lax
from jax.experimental import pallas as pl
from jax.experimental.pallas import tpu as pltpu
from jax.experimental.pallas import tpu_sc as plsc

_K = 32
_EPS = 1e-5
_SLOPE = 0.01
_F32 = jnp.float32


def _prep_body(p2cat_ref, q1cat_ref, w0at_ref, w0bt_ref, a_ref, bq_ref):
    a_ref[...] = jnp.dot(p2cat_ref[...], w0at_ref[...],
                         preferred_element_type=_F32)
    bq_ref[...] = jnp.dot(q1cat_ref[...], w0bt_ref[...],
                          preferred_element_type=_F32)


def _knn_body(p1h_ref, p2ht_ref, gidx_ref, *, M, TN):
    b = pl.program_id(0)
    q = p1h_ref[...]
    pm = p2ht_ref[0]
    dx = q[:, 0:1] - pm[0:1, :]
    dy = q[:, 1:2] - pm[1:2, :]
    dz = q[:, 2:3] - pm[2:3, :]
    d = dx * dx + dy * dy + dz * dz
    miota = lax.broadcasted_iota(jnp.int32, (TN, M), 1)
    kiota = lax.broadcasted_iota(jnp.int32, (TN, _K), 1)

    def step(j, carry):
        d, acc = carry
        mn = jnp.min(d, axis=1, keepdims=True)
        idxj = jnp.min(jnp.where(d == mn, miota, M), axis=1, keepdims=True)
        acc = jnp.where(kiota == j, idxj, acc)
        d = jnp.where(miota == idxj, 3.0e38, d)
        return d, acc

    _, acc = lax.fori_loop(0, _K, step,
                           (d, jnp.zeros((TN, _K), jnp.int32)))
    gidx_ref[...] = acc + b * M


def _sc_gather(table, idx_flat, total, gwidth, owidth):
    nc, ns = 2, 16
    nw = nc * ns
    per_w = total // nw
    ch = 128
    n_ch = per_w // ch
    mesh = plsc.VectorSubcoreMesh(core_axis_name="c", subcore_axis_name="s")

    @functools.partial(
        pl.kernel, mesh=mesh,
        out_type=jax.ShapeDtypeStruct((total, owidth), _F32),
        scratch_types=[
            pltpu.VMEM((ch,), jnp.int32),
            pltpu.VMEM((ch, gwidth), _F32),
            pltpu.SemaphoreType.DMA,
        ],
    )
    def gk(table_hbm, idx_hbm, out_hbm, idx_v, rows_v, sem):
        wid = lax.axis_index("s") * nc + lax.axis_index("c")
        base = pl.multiple_of(wid * per_w, ch)

        def body(i, carry):
            off = pl.multiple_of(base + i * ch, ch)
            pltpu.sync_copy(idx_hbm.at[pl.ds(off, ch)], idx_v)
            pltpu.async_copy(table_hbm.at[idx_v], rows_v, sem).wait()
            pltpu.sync_copy(rows_v, out_hbm.at[pl.ds(off, ch)])
            return carry

        lax.fori_loop(0, n_ch, body, 0)

    return gk(table, idx_flat)


def _stats0_body(y0b_ref, bq_ref, sum_ref, sumsq_ref):
    i = pl.program_id(0)
    y0 = y0b_ref[...][:, :bq_ref.shape[1]] + bq_ref[...]

    @pl.when(i == 0)
    def _():
        sum_ref[...] = jnp.zeros_like(sum_ref)
        sumsq_ref[...] = jnp.zeros_like(sumsq_ref)

    s = jnp.sum(y0, axis=0, keepdims=True)
    ss = jnp.sum(y0 * y0, axis=0, keepdims=True)
    sum_ref[...] += jnp.broadcast_to(s, sum_ref.shape)
    sumsq_ref[...] += jnp.broadcast_to(ss, sumsq_ref.shape)


def _mid_bq_body(y_ref, bq_ref, sc_ref, sh_ref, wt_ref,
                 out_ref, sum_ref, sumsq_ref):
    i = pl.program_id(0)
    y = y_ref[...][:, :bq_ref.shape[1]] + bq_ref[...]
    z = y * sc_ref[0:1, :] + sh_ref[0:1, :]
    h = jnp.where(z >= 0, z, _SLOPE * z)
    o = jnp.dot(h, wt_ref[...], preferred_element_type=_F32)
    out_ref[...] = o

    @pl.when(i == 0)
    def _():
        sum_ref[...] = jnp.zeros_like(sum_ref)
        sumsq_ref[...] = jnp.zeros_like(sumsq_ref)

    sum_ref[...] += jnp.broadcast_to(jnp.sum(o, axis=0, keepdims=True),
                                     sum_ref.shape)
    sumsq_ref[...] += jnp.broadcast_to(jnp.sum(o * o, axis=0, keepdims=True),
                                       sumsq_ref.shape)


def _mid_max_body(y_ref, sc_ref, sh_ref, wt_ref,
                  mx_ref, mn_ref, sum_ref, sumsq_ref):
    qb = pl.program_id(0)
    k = pl.program_id(1)
    z = y_ref[...] * sc_ref[0:1, :] + sh_ref[0:1, :]
    h = jnp.where(z >= 0, z, _SLOPE * z)
    o = jnp.dot(h, wt_ref[...], preferred_element_type=_F32)

    @pl.when((qb == 0) & (k == 0))
    def _():
        sum_ref[...] = jnp.zeros_like(sum_ref)
        sumsq_ref[...] = jnp.zeros_like(sumsq_ref)

    sum_ref[...] += jnp.broadcast_to(jnp.sum(o, axis=0, keepdims=True),
                                     sum_ref.shape)
    sumsq_ref[...] += jnp.broadcast_to(jnp.sum(o * o, axis=0, keepdims=True),
                                       sumsq_ref.shape)

    @pl.when(k == 0)
    def _():
        mx_ref[...] = o
        mn_ref[...] = o

    @pl.when(k > 0)
    def _():
        mx_ref[...] = jnp.maximum(mx_ref[...], o)
        mn_ref[...] = jnp.minimum(mn_ref[...], o)


def _final_body(mx_ref, mn_ref, sc_ref, sh_ref, out_ref):
    sc = sc_ref[0:1, :]
    z = jnp.where(sc >= 0, mx_ref[...] * sc, mn_ref[...] * sc) + sh_ref[0:1, :]
    out_ref[...] = jnp.where(z >= 0, z, _SLOPE * z)


def _affine(g, b, s, ss, cnt):
    mu = s / cnt
    var = ss / cnt - mu * mu
    sc = g / jnp.sqrt(var + _EPS)
    sh = b - mu * sc
    rows = 8
    return (jnp.broadcast_to(sc[None, :], (rows, sc.shape[0])),
            jnp.broadcast_to(sh[None, :], (rows, sh.shape[0])))


def kernel(pos1, pos2, feature1, feature2, radius,
           W0, g0, b0, W1, g1, b1, W2, g2, b2):
    del radius
    B, _, N = pos1.shape
    M = pos2.shape[2]
    C = feature1.shape[1]
    BN, BM, BNK = B * N, B * M, B * N * _K
    O0, O1, O2 = W0.shape[0], W1.shape[0], W2.shape[0]

    p1t = pos1.transpose(0, 2, 1).reshape(BN, 3).astype(_F32)
    p2t = pos2.transpose(0, 2, 1).reshape(BM, 3).astype(_F32)
    f1t = feature1.transpose(0, 2, 1).reshape(BN, C).astype(_F32)
    f2t = feature2.transpose(0, 2, 1).reshape(BM, C).astype(_F32)
    p1pad = jnp.pad(p1t, ((0, 0), (0, 5)))
    p2pad = jnp.pad(p2t, ((0, 0), (0, 5)))
    p2cat = jnp.concatenate([p2t, f2t], axis=1)
    q1cat = jnp.concatenate([p1t, f1t], axis=1)
    w0at = jnp.pad(W0[:, :3 + C].T.astype(_F32), ((0, 0), (0, 128 - O0)))
    w0bt = jnp.concatenate([-W0[:, :3], W0[:, 3 + C:]], axis=1).T.astype(_F32)

    TP = 2048
    npb = BM // TP
    row_spec = lambda w: pl.BlockSpec((TP, w), lambda i: (i, 0))
    full_spec = lambda r, w: pl.BlockSpec((r, w), lambda i: (0, 0))
    a, bq = pl.pallas_call(
        _prep_body,
        grid=(npb,),
        in_specs=[
            row_spec(3 + C), row_spec(3 + C),
            full_spec(3 + C, 128), full_spec(3 + C, O0),
        ],
        out_specs=(row_spec(128), row_spec(O0)),
        out_shape=(
            jax.ShapeDtypeStruct((BM, 128), _F32),
            jax.ShapeDtypeStruct((BN, O0), _F32),
        ),
    )(p2cat, q1cat, w0at, w0bt)

    p1h = p1pad
    p2ht = p2pad.reshape(B, M, 8).transpose(0, 2, 1)

    TN = 1024
    nb = N // TN
    gidx = pl.pallas_call(
        functools.partial(_knn_body, M=M, TN=TN),
        grid=(B, nb),
        in_specs=[
            pl.BlockSpec((TN, 8), lambda b, i: (b * nb + i, 0)),
            pl.BlockSpec((1, 8, M), lambda b, i: (b, 0, 0)),
        ],
        out_specs=pl.BlockSpec((TN, _K), lambda b, i: (b * nb + i, 0)),
        out_shape=jax.ShapeDtypeStruct((BN, _K), jnp.int32),
    )(p1h, p2ht)

    idx_perm = gidx.T.reshape(BNK)
    y0b = _sc_gather(a, idx_perm, BNK, 128, 128)

    TS = 2048
    nblk = BNK // TS
    qbn = BN // TS

    acc_spec = pl.BlockSpec((8, O1), lambda i: (0, 0))
    s0, ss0 = pl.pallas_call(
        _stats0_body,
        grid=(nblk,),
        in_specs=[
            pl.BlockSpec((TS, 128), lambda i: (i, 0)),
            pl.BlockSpec((TS, O0), lambda i: (i % qbn, 0)),
        ],
        out_specs=(pl.BlockSpec((8, O0), lambda i: (0, 0)),
                   pl.BlockSpec((8, O0), lambda i: (0, 0))),
        out_shape=(jax.ShapeDtypeStruct((8, O0), _F32),
                   jax.ShapeDtypeStruct((8, O0), _F32)),
    )(y0b, bq)

    cnt = jnp.float32(BNK)
    sc0e, sh0e = _affine(g0, b0, s0[0], ss0[0], cnt)

    w1t = W1.T.astype(_F32)
    y1, s1, ss1 = pl.pallas_call(
        _mid_bq_body,
        grid=(nblk,),
        in_specs=[
            pl.BlockSpec((TS, 128), lambda i: (i, 0)),
            pl.BlockSpec((TS, O0), lambda i: (i % qbn, 0)),
            pl.BlockSpec((8, O0), lambda i: (0, 0)),
            pl.BlockSpec((8, O0), lambda i: (0, 0)),
            pl.BlockSpec((O0, O1), lambda i: (0, 0)),
        ],
        out_specs=(pl.BlockSpec((TS, O1), lambda i: (i, 0)),
                   acc_spec, acc_spec),
        out_shape=(jax.ShapeDtypeStruct((BNK, O1), _F32),
                   jax.ShapeDtypeStruct((8, O1), _F32),
                   jax.ShapeDtypeStruct((8, O1), _F32)),
    )(y0b, bq, sc0e, sh0e, w1t)

    sc1e, sh1e = _affine(g1, b1, s1[0], ss1[0], cnt)

    w2t = W2.T.astype(_F32)
    acc2_spec = pl.BlockSpec((8, O2), lambda qb, k: (0, 0))
    mx2, mn2, s2, ss2 = pl.pallas_call(
        _mid_max_body,
        grid=(qbn, _K),
        in_specs=[
            pl.BlockSpec((TS, O1), lambda qb, k: (k * qbn + qb, 0)),
            pl.BlockSpec((8, O1), lambda qb, k: (0, 0)),
            pl.BlockSpec((8, O1), lambda qb, k: (0, 0)),
            pl.BlockSpec((O1, O2), lambda qb, k: (0, 0)),
        ],
        out_specs=(pl.BlockSpec((TS, O2), lambda qb, k: (qb, 0)),
                   pl.BlockSpec((TS, O2), lambda qb, k: (qb, 0)),
                   acc2_spec, acc2_spec),
        out_shape=(jax.ShapeDtypeStruct((BN, O2), _F32),
                   jax.ShapeDtypeStruct((BN, O2), _F32),
                   jax.ShapeDtypeStruct((8, O2), _F32),
                   jax.ShapeDtypeStruct((8, O2), _F32)),
    )(y1, sc1e, sh1e, w2t)

    sc2e, sh2e = _affine(g2, b2, s2[0], ss2[0], cnt)

    o = pl.pallas_call(
        _final_body,
        grid=(qbn,),
        in_specs=[
            pl.BlockSpec((TS, O2), lambda qb: (qb, 0)),
            pl.BlockSpec((TS, O2), lambda qb: (qb, 0)),
            pl.BlockSpec((8, O2), lambda qb: (0, 0)),
            pl.BlockSpec((8, O2), lambda qb: (0, 0)),
        ],
        out_specs=pl.BlockSpec((TS, O2), lambda qb: (qb, 0)),
        out_shape=jax.ShapeDtypeStruct((BN, O2), _F32),
    )(mx2, mn2, sc2e, sh2e)

    feat1_new = o.reshape(B, N, O2).transpose(0, 2, 1)
    return (pos1, feat1_new)

# --- scband reference (transcript-rebuilt; emitter-appended) ---
"""Pipeline reference for scband-flow-embedding-48163763257800 (READ-ONLY COPY).

The authoritative reference and input builder live on the scoring server;
editing this copy changes nothing except your own understanding.
"""

import jax, jax.numpy as jnp
import numpy as np

K = 32
EPS = 1e-5
SLOPE = 0.01


def _knn_idx(p1t, p2t, k):
    # pairwise squared distances [B, N, M]; frnn ball-query with knn fallback
    # is mathematically equivalent to plain k-nearest-neighbors sorted by distance
    d2 = jnp.sum((p1t[:, :, None, :] - p2t[:, None, :, :]) ** 2, axis=-1)
    _, idx = jax.lax.top_k(-d2, k)
    return idx


def _group(feat_t, idx):
    # feat_t: [B, M, C], idx: [B, N, K] -> [B, C, N, K]  (grouping_operation)
    g = jax.vmap(lambda f, i: f[i])(feat_t, idx)
    return jnp.transpose(g, (0, 3, 1, 2))


def _conv_bn_lrelu(x, W, g, b):
    # 1x1 Conv2d (no bias) + BatchNorm2d (training-mode batch stats) + leaky_relu(0.01)
    y = jnp.einsum('oc,bcnk->bonk', W, x)
    mu = jnp.mean(y, axis=(0, 2, 3), keepdims=True)
    var = jnp.var(y, axis=(0, 2, 3), keepdims=True)
    y = (y - mu) / jnp.sqrt(var + EPS)
    y = y * g[None, :, None, None] + b[None, :, None, None]
    return jnp.where(y >= 0, y, SLOPE * y)


def setup_inputs(seed: int = 0):
    key = jax.random.key(seed)
    ks = jax.random.split(key, 8)
    B, N, C = 8, 2048, 64
    mlp = [64, 64, 128]
    inp = {
        'pos1': jax.random.normal(ks[0], (B, 3, N), dtype=jnp.float32),
        'pos2': jax.random.normal(ks[1], (B, 3, N), dtype=jnp.float32),
        'feature1': jax.random.normal(ks[2], (B, C, N), dtype=jnp.float32),
        'feature2': jax.random.normal(ks[3], (B, C, N), dtype=jnp.float32),
        'radius': 5,
    }
    last = 2 * C + 3
    for li, out_c in enumerate(mlp):
        inp['W%d' % li] = jax.random.normal(ks[4 + li], (out_c, last), dtype=jnp.float32) * (1.0 / np.sqrt(last))
        inp['g%d' % li] = jnp.ones((out_c,), dtype=jnp.float32)
        inp['b%d' % li] = jnp.zeros((out_c,), dtype=jnp.float32)
        last = out_c
    return inp


def reference(pos1, pos2, feature1, feature2, radius, W0, g0, b0, W1, g1, b1, W2, g2, b2):
    p1t = jnp.transpose(pos1, (0, 2, 1))
    p2t = jnp.transpose(pos2, (0, 2, 1))
    idx = _knn_idx(p1t, p2t, K)
    pos2_grouped = _group(p2t, idx)                      # [B, 3, N, K]
    pos_diff = pos2_grouped - pos1[:, :, :, None]
    f2t = jnp.transpose(feature2, (0, 2, 1))
    feat2_grouped = _group(f2t, idx)                     # [B, C, N, K]
    B, C, N = feature1.shape
    feat1_rep = jnp.broadcast_to(feature1[:, :, :, None], (B, C, N, K))
    feat_diff = jnp.concatenate([feat2_grouped, feat1_rep], axis=1)
    x = jnp.concatenate([pos_diff, feat_diff], axis=1)   # [B, 2C+3, N, K]
    for W, g, b in ((W0, g0, b0), (W1, g1, b1), (W2, g2, b2)):
        x = _conv_bn_lrelu(x, W, g, b)
    feat1_new = jnp.max(x, axis=-1)                      # [B, mlp[-1], N]
    return (pos1, feat1_new)

if __name__ == "__main__":
    import jax
    _d = setup_inputs()
    print(jax.jit(kernel)(*tuple(_d.values())))

</pallas_src>

<mosaic_0001>
#map = affine_map<(d0, d1) -> (0, 0)>
#map1 = affine_map<(d0, d1) -> (0)>
module attributes {stable_mosaic.version = 14 : i64} {
  func.func @gk(%arg0: i32, %arg1: i32, %arg2: memref<16384x128xf32, #tpu.memory_space<hbm>>, %arg3: memref<524288xi32, #tpu.memory_space<hbm>>, %arg4: memref<524288x128xf32, #tpu.memory_space<hbm>>, %arg5: memref<128xi32, #tpu.memory_space<vmem>>, %arg6: memref<128x128xf32, #tpu.memory_space<vmem>>, %arg7: memref<!tpu.dma_semaphore, #tpu.memory_space<semaphore_mem>>) attributes {dimension_semantics = [#tpu.dimension_semantics<core_parallel>, #tpu.dimension_semantics<subcore_parallel>], iteration_bounds = array<i64: 2, 16>, scalar_prefetch = 0 : i64, scratch_operands = 3 : i64, tpu.core_type = #tpu.core_type<sc_vector_subcore>, window_params = [{transform_indices = #map}, {transform_indices = #map1}, {transform_indices = #map}]} {
    %mul3A = arith.constant 2 : i32
    %mul3A_0 = arith.muli %arg1, %mul3A : i32
    %add3A = arith.addi %mul3A_0, %arg0 : i32
    %mul3A_1 = arith.constant 16384 : i32
    %mul3A_2 = arith.muli %add3A, %mul3A_1 : i32
    %multiple_of3A = tpu.assume_multiple %mul3A_2, 128 : i32
    %scan3A = arith.constant 0 : i32
    %scan3A_3 = arith.constant 0 : i32
    %scan3A_4 = arith.constant 128 : i32
    %scan3A_5 = arith.addi %scan3A_3, %scan3A_4 : i32
    %scan3A_6 = arith.constant 1 : i32
    scf.for %scan3A_8 = %scan3A_3 to %scan3A_5 step %scan3A_6  : i32 {
      %mul3A_9 = arith.constant 128 : i32
      %mul3A_10 = arith.muli %scan3A_8, %mul3A_9 : i32
      %add3A_11 = arith.addi %multiple_of3A, %mul3A_10 : i32
      %multiple_of3A_12 = tpu.assume_multiple %add3A_11, 128 : i32
      "tpu.region"() ({
        %run_scoped3A = tpu.sem_alloc : memref<!tpu.dma_semaphore, #tpu.memory_space<semaphore_mem>>
        %dma_start3A_17 = tpu.memref_slice %arg3[%multiple_of3A_12] : memref<524288xi32, #tpu.memory_space<hbm>> -> memref<128xi32, #tpu.memory_space<hbm>>
        %dma_start3A_18 = tpu.memref_slice %arg3[%multiple_of3A_12] : memref<524288xi32, #tpu.memory_space<hbm>> -> memref<128xi32, #tpu.memory_space<hbm>>
        tpu.enqueue_dma source(%dma_start3A_18 : memref<128xi32, #tpu.memory_space<hbm>>) target(%arg5 : memref<128xi32, #tpu.memory_space<vmem>>) target_semaphore(%run_scoped3A : memref<!tpu.dma_semaphore, #tpu.memory_space<semaphore_mem>>)
        %dma_wait3A_19 = tpu.memref_slice %arg3[%multiple_of3A_12] : memref<524288xi32, #tpu.memory_space<hbm>> -> memref<128xi32, #tpu.memory_space<hbm>>
        %dma_wait3A_20 = tpu.memref_slice %arg3[%multiple_of3A_12] : memref<524288xi32, #tpu.memory_space<hbm>> -> memref<128xi32, #tpu.memory_space<hbm>>
        tpu.wait_dma2 semaphore(%run_scoped3A : memref<!tpu.dma_semaphore, #tpu.memory_space<semaphore_mem>>) src(%dma_wait3A_20 : memref<128xi32, #tpu.memory_space<hbm>>) dst(%arg5 : memref<128xi32, #tpu.memory_space<vmem>>)
        tpu.yield
      }) : () -> ()
      %dma_start3A = arith.constant 0 : i32
      %dma_start3A_13 = arith.constant 0 : i32
      %dma_start3A_14 = tpu.memref_slice %arg2[%dma_start3A, %dma_start3A_13] : memref<16384x128xf32, #tpu.memory_space<hbm>> -> memref<16384x128xf32, #tpu.memory_space<hbm>>
      tpu.enqueue_indirect_dma source(%dma_start3A_14 : memref<16384x128xf32, #tpu.memory_space<hbm>>) target(%arg6 : memref<128x128xf32, #tpu.memory_space<vmem>>) offsets(%arg5 : memref<128xi32, #tpu.memory_space<vmem>>) semaphore(%arg7 : memref<!tpu.dma_semaphore, #tpu.memory_space<semaphore_mem>>)
      %dma_wait3A = arith.constant 0 : i32
      %dma_wait3A_15 = arith.constant 0 : i32
      %dma_wait3A_16 = tpu.memref_slice %arg2[%dma_wait3A, %dma_wait3A_15] : memref<16384x128xf32, #tpu.memory_space<hbm>> -> memref<16384x128xf32, #tpu.memory_space<hbm>>
      tpu.wait_indirect_dma semaphore(%arg7 : memref<!tpu.dma_semaphore, #tpu.memory_space<semaphore_mem>>) src(%dma_wait3A_16 : memref<16384x128xf32, #tpu.memory_space<hbm>>) dst(%arg6 : memref<128x128xf32, #tpu.memory_space<vmem>>)
      "tpu.region"() ({
        %run_scoped3A = tpu.sem_alloc : memref<!tpu.dma_semaphore, #tpu.memory_space<semaphore_mem>>
        %dma_start3A_17 = arith.constant 0 : i32
        %dma_start3A_18 = tpu.memref_slice %arg4[%multiple_of3A_12, %dma_start3A_17] : memref<524288x128xf32, #tpu.memory_space<hbm>> -> memref<128x128xf32, #tpu.memory_space<hbm>>
        %dma_start3A_19 = arith.constant 0 : i32
        %dma_start3A_20 = tpu.memref_slice %arg4[%multiple_of3A_12, %dma_start3A_19] : memref<524288x128xf32, #tpu.memory_space<hbm>> -> memref<128x128xf32, #tpu.memory_space<hbm>>
        tpu.enqueue_dma source(%arg6 : memref<128x128xf32, #tpu.memory_space<vmem>>) target(%dma_start3A_20 : memref<128x128xf32, #tpu.memory_space<hbm>>) target_semaphore(%run_scoped3A : memref<!tpu.dma_semaphore, #tpu.memory_space<semaphore_mem>>)
        %dma_wait3A_21 = arith.constant 0 : i32
        %dma_wait3A_22 = tpu.memref_slice %arg4[%multiple_of3A_12, %dma_wait3A_21] : memref<524288x128xf32, #tpu.memory_space<hbm>> -> memref<128x128xf32, #tpu.memory_space<hbm>>
        %dma_wait3A_23 = arith.constant 0 : i32
        %dma_wait3A_24 = tpu.memref_slice %arg4[%multiple_of3A_12, %dma_wait3A_23] : memref<524288x128xf32, #tpu.memory_space<hbm>> -> memref<128x128xf32, #tpu.memory_space<hbm>>
        tpu.wait_dma2 semaphore(%run_scoped3A : memref<!tpu.dma_semaphore, #tpu.memory_space<semaphore_mem>>) src(%arg6 : memref<128x128xf32, #tpu.memory_space<vmem>>) dst(%dma_wait3A_24 : memref<128x128xf32, #tpu.memory_space<hbm>>)
        tpu.yield
      }) : () -> ()
    }
    %scan3A_7 = arith.constant 128 : i32
    return
  }
}

module attributes {stable_mosaic.version = 14 : i64} {
  func.func @_knn_body(%arg0: i32, %arg1: i32, %arg2: memref<1024x8xf32, #tpu.memory_space<vmem>>, %arg3: memref<1x8x2048xf32, #tpu.memory_space<vmem>>, %arg4: memref<1024x32xi32, #tpu.memory_space<vmem>>) attributes {dimension_semantics = [#tpu.dimension_semantics<arbitrary>, #tpu.dimension_semantics<arbitrary>], iteration_bounds = array<i64: 8, 2>, scalar_prefetch = 0 : i64, scratch_operands = 0 : i64, tpu.core_type = #tpu.core_type<tc>, window_params = [{transform_indices = @transform_0, window_bounds = array<i64: 1024, 8>}, {transform_indices = @transform_1, window_bounds = array<i64: 1, 8, 2048>}, {transform_indices = @transform_2, window_bounds = array<i64: 1024, 32>}]} {
    %get3A = arith.constant 0 : index
    %get3A_0 = arith.constant 0 : index
    %get3A_1 = vector.load %arg2[%get3A, %get3A_0] : memref<1024x8xf32, #tpu.memory_space<vmem>>, vector<1024x8xf32>
    %get3A_2 = arith.constant 0 : index
    %get3A_3 = arith.constant 0 : index
    %get3A_4 = arith.constant 0 : index
    %get3A_5 = vector.load %arg3[%get3A_2, %get3A_3, %get3A_4] : memref<1x8x2048xf32, #tpu.memory_space<vmem>>, vector<1x8x2048xf32>
    %get3A_6 = vector.shape_cast %get3A_5 : vector<1x8x2048xf32> to vector<8x2048xf32>
    %slice3A = vector.extract_strided_slice %get3A_1 {offsets = [0, 0], sizes = [1024, 1], strides = [1, 1]} : vector<1024x8xf32> to vector<1024x1xf32>
    %slice3A_7 = vector.extract_strided_slice %get3A_6 {offsets = [0, 0], sizes = [1, 2048], strides = [1, 1]} : vector<8x2048xf32> to vector<1x2048xf32>
    %sub3A = vector.broadcast %slice3A : vector<1024x1xf32> to vector<1024x2048xf32>
    %sub3A_8 = vector.broadcast %slice3A_7 : vector<1x2048xf32> to vector<1024x2048xf32>
    %sub3A_9 = arith.subf %sub3A, %sub3A_8 : vector<1024x2048xf32>
    %slice3A_10 = vector.extract_strided_slice %get3A_1 {offsets = [0, 1], sizes = [1024, 1], strides = [1, 1]} : vector<1024x8xf32> to vector<1024x1xf32>
    %slice3A_11 = vector.extract_strided_slice %get3A_6 {offsets = [1, 0], sizes = [1, 2048], strides = [1, 1]} : vector<8x2048xf32> to vector<1x2048xf32>
    %sub3A_12 = vector.broadcast %slice3A_10 : vector<1024x1xf32> to vector<1024x2048xf32>
    %sub3A_13 = vector.broadcast %slice3A_11 : vector<1x2048xf32> to vector<1024x2048xf32>
    %sub3A_14 = arith.subf %sub3A_12, %sub3A_13 : vector<1024x2048xf32>
    %slice3A_15 = vector.extract_strided_slice %get3A_1 {offsets = [0, 2], sizes = [1024, 1], strides = [1, 1]} : vector<1024x8xf32> to vector<1024x1xf32>
    %slice3A_16 = vector.extract_strided_slice %get3A_6 {offsets = [2, 0], sizes = [1, 2048], strides = [1, 1]} : vector<8x2048xf32> to vector<1x2048xf32>
    %sub3A_17 = vector.broadcast %slice3A_15 : vector<1024x1xf32> to vector<1024x2048xf32>
    %sub3A_18 = vector.broadcast %slice3A_16 : vector<1x2048xf32> to vector<1024x2048xf32>
    %sub3A_19 = arith.subf %sub3A_17, %sub3A_18 : vector<1024x2048xf32>
    %mul3A = arith.mulf %sub3A_9, %sub3A_9 : vector<1024x2048xf32>
    %mul3A_20 = arith.mulf %sub3A_14, %sub3A_14 : vector<1024x2048xf32>
    %add3A = arith.addf %mul3A, %mul3A_20 : vector<1024x2048xf32>
    %mul3A_21 = arith.mulf %sub3A_19, %sub3A_19 : vector<1024x2048xf32>
    %add3A_22 = arith.addf %add3A, %mul3A_21 : vector<1024x2048xf32>
    %iota3A = tpu.iota {dimensions = array<i32: 1>} : vector<1024x2048xi32>
    %iota3A_23 = tpu.iota {dimensions = array<i32: 1>} : vector<1024x32xi32>
    %broadcast_in_dim3A = arith.constant 0 : i32
    %broadcast_in_dim3A_24 = vector.broadcast %broadcast_in_dim3A : i32 to vector<1024x32xi32>
    %scan3A = arith.constant 0 : i32
    %scan3A_25 = arith.constant 32 : i32
    %scan3A_26 = arith.addi %scan3A, %scan3A_25 : i32
    %scan3A_27 = arith.constant 1 : i32
    %scan3A_28:2 = scf.for %scan3A_36 = %scan3A to %scan3A_26 step %scan3A_27 iter_args(%scan3A_37 = %add3A_22, %scan3A_38 = %broadcast_in_dim3A_24) -> (vector<1024x2048xf32>, vector<1024x32xi32>)  : i32 {
      %reduce_min3A = arith.constant dense<0x7F800000> : vector<1024xf32>
      %reduce_min3A_39 = vector.multi_reduction <minimumf>, %scan3A_37, %reduce_min3A [1] : vector<1024x2048xf32> to vector<1024xf32>
      %broadcast_in_dim3A_40 = vector.shape_cast %reduce_min3A_39 : vector<1024xf32> to vector<1024x1xf32>
      %eq3A = vector.broadcast %broadcast_in_dim3A_40 : vector<1024x1xf32> to vector<1024x2048xf32>
      %eq3A_41 = arith.cmpf oeq, %scan3A_37, %eq3A : vector<1024x2048xf32>
      %jit3A = arith.constant 2048 : i32
      %broadcast_in_dim3A_42 = vector.broadcast %jit3A : i32 to vector<1024x2048xi32>
      %select_n3A = arith.select %eq3A_41, %iota3A, %broadcast_in_dim3A_42 : vector<1024x2048xi1>, vector<1024x2048xi32>
      %reduce_min3A_43 = arith.constant dense<2147483647> : vector<1024xi32>
      %reduce_min3A_44 = vector.multi_reduction <minsi>, %select_n3A, %reduce_min3A_43 [1] : vector<1024x2048xi32> to vector<1024xi32>
      %broadcast_in_dim3A_45 = vector.shape_cast %reduce_min3A_44 : vector<1024xi32> to vector<1024x1xi32>
      %eq3A_46 = vector.broadcast %scan3A_36 : i32 to vector<1024x32xi32>
      %eq3A_47 = arith.cmpi eq, %iota3A_23, %eq3A_46 : vector<1024x32xi32>
      %broadcast_in_dim3A_48 = vector.shape_cast %broadcast_in_dim3A_45 : vector<1024x1xi32> to vector<1024x1xi32>
      %broadcast_in_dim3A_49 = vector.broadcast %broadcast_in_dim3A_48 : vector<1024x1xi32> to vector<1024x32xi32>
      %select_n3A_50 = arith.select %eq3A_47, %broadcast_in_dim3A_49, %scan3A_38 : vector<1024x32xi1>, vector<1024x32xi32>
      %eq3A_51 = vector.broadcast %broadcast_in_dim3A_45 : vector<1024x1xi32> to vector<1024x2048xi32>
      %eq3A_52 = arith.cmpi eq, %iota3A, %eq3A_51 : vector<1024x2048xi32>
      %jit3A_53 = arith.constant 3.000000e+38 : f32
      %broadcast_in_dim3A_54 = vector.broadcast %jit3A_53 : f32 to vector<1024x2048xf32>
      %select_n3A_55 = arith.select %eq3A_52, %broadcast_in_dim3A_54, %scan3A_37 : vector<1024x2048xi1>, vector<1024x2048xf32>
      scf.yield %select_n3A_55, %select_n3A_50 : vector<1024x2048xf32>, vector<1024x32xi32>
    }
    %scan3A_29 = arith.constant 32 : i32
    %mul3A_30 = arith.constant 2048 : i32
    %mul3A_31 = arith.muli %arg0, %mul3A_30 : i32
    %add3A_32 = vector.broadcast %mul3A_31 : i32 to vector<1024x32xi32>
    %add3A_33 = arith.addi %scan3A_28#1, %add3A_32 : vector<1024x32xi32>
    %swap3A = arith.constant 0 : index
    %swap3A_34 = arith.constant 0 : index
    %swap3A_35 = vector.load %arg4[%swap3A, %swap3A_34] : memref<1024x32xi32, #tpu.memory_space<vmem>>, vector<1024x32xi32>
    tpu.vector_store %arg4[%swap3A, %swap3A_34], %add3A_33 {strides = array<i32>} : memref<1024x32xi32, #tpu.memory_space<vmem>>, vector<1024x32xi32>,
    return
  }
  func.func @transform_0(%arg0: i32, %arg1: i32) -> (i32, i32) {
    %mul3A = arith.constant 2 : i32
    %mul3A_0 = arith.muli %arg0, %mul3A : i32
    %add3A = arith.addi %mul3A_0, %arg1 : i32
    %c0_i32 = arith.constant 0 : i32
    %c0_i32_1 = arith.constant 0 : i32
    return %add3A, %c0_i32 : i32, i32
  }
  func.func @transform_1(%arg0: i32, %arg1: i32) -> (i32, i32, i32) {
    %c0_i32 = arith.constant 0 : i32
    %c0_i32_0 = arith.constant 0 : i32
    %c0_i32_1 = arith.constant 0 : i32
    return %arg0, %c0_i32, %c0_i32_0 : i32, i32, i32
  }
  func.func @transform_2(%arg0: i32, %arg1: i32) -> (i32, i32) {
    %mul3A = arith.constant 2 : i32
    %mul3A_0 = arith.muli %arg0, %mul3A : i32
    %add3A = arith.addi %mul3A_0, %arg1 : i32
    %c0_i32 = arith.constant 0 : i32
    %c0_i32_1 = arith.constant 0 : i32
    return %add3A, %c0_i32 : i32, i32
  }
}

module attributes {stable_mosaic.version = 14 : i64} {
  func.func @_prep_body(%arg0: i32, %arg1: memref<2048x67xf32, #tpu.memory_space<vmem>>, %arg2: memref<2048x67xf32, #tpu.memory_space<vmem>>, %arg3: memref<67x128xf32, #tpu.memory_space<vmem>>, %arg4: memref<67x64xf32, #tpu.memory_space<vmem>>, %arg5: memref<2048x128xf32, #tpu.memory_space<vmem>>, %arg6: memref<2048x64xf32, #tpu.memory_space<vmem>>) attributes {dimension_semantics = [#tpu.dimension_semantics<arbitrary>], iteration_bounds = array<i64: 8>, scalar_prefetch = 0 : i64, scratch_operands = 0 : i64, tpu.core_type = #tpu.core_type<tc>, window_params = [{transform_indices = @transform_0, window_bounds = array<i64: 2048, 67>}, {transform_indices = @transform_1, window_bounds = array<i64: 2048, 67>}, {pipeline_mode = #tpu.pipeline_mode<synchronous>, transform_indices = @transform_2, window_bounds = array<i64: 67, 128>}, {pipeline_mode = #tpu.pipeline_mode<synchronous>, transform_indices = @transform_3, window_bounds = array<i64: 67, 64>}, {transform_indices = @transform_4, window_bounds = array<i64: 2048, 128>}, {transform_indices = @transform_5, window_bounds = array<i64: 2048, 64>}]} {
    %get3A = arith.constant 0 : index
    %get3A_0 = arith.constant 0 : index
    %get3A_1 = vector.load %arg1[%get3A, %get3A_0] : memref<2048x67xf32, #tpu.memory_space<vmem>>, vector<2048x67xf32>
    %get3A_2 = arith.constant 0 : index
    %get3A_3 = arith.constant 0 : index
    %get3A_4 = vector.load %arg3[%get3A_2, %get3A_3] : memref<67x128xf32, #tpu.memory_space<vmem>>, vector<67x128xf32>
    %dot_general3A = arith.constant dense<0.000000e+00> : vector<2048x128xf32>
    %dot_general3A_5 = tpu.matmul %get3A_1, %get3A_4, %dot_general3A {dimension_numbers = #tpu.dot_dimension_numbers<[1], [0], [0], [1], [0, 0, 1, 1], [], []>, transpose_lhs_hint = false} : vector<2048x67xf32>, vector<67x128xf32>, vector<2048x128xf32> -> vector<2048x128xf32>
    %swap3A = arith.constant 0 : index
    %swap3A_6 = arith.constant 0 : index
    %swap3A_7 = vector.load %arg5[%swap3A, %swap3A_6] : memref<2048x128xf32, #tpu.memory_space<vmem>>, vector<2048x128xf32>
    tpu.vector_store %arg5[%swap3A, %swap3A_6], %dot_general3A_5 {strides = array<i32>} : memref<2048x128xf32, #tpu.memory_space<vmem>>, vector<2048x128xf32>,
    %get3A_8 = arith.constant 0 : index
    %get3A_9 = arith.constant 0 : index
    %get3A_10 = vector.load %arg2[%get3A_8, %get3A_9] : memref<2048x67xf32, #tpu.memory_space<vmem>>, vector<2048x67xf32>
    %get3A_11 = arith.constant 0 : index
    %get3A_12 = arith.constant 0 : index
    %get3A_13 = vector.load %arg4[%get3A_11, %get3A_12] : memref<67x64xf32, #tpu.memory_space<vmem>>, vector<67x64xf32>
    %dot_general3A_14 = arith.constant dense<0.000000e+00> : vector<2048x64xf32>
    %dot_general3A_15 = tpu.matmul %get3A_10, %get3A_13, %dot_general3A_14 {dimension_numbers = #tpu.dot_dimension_numbers<[1], [0], [0], [1], [0, 0, 1, 1], [], []>, transpose_lhs_hint = false} : vector<2048x67xf32>, vector<67x64xf32>, vector<2048x64xf32> -> vector<2048x64xf32>
    %swap3A_16 = arith.constant 0 : index
    %swap3A_17 = arith.constant 0 : index
    %swap3A_18 = vector.load %arg6[%swap3A_16, %swap3A_17] : memref<2048x64xf32, #tpu.memory_space<vmem>>, vector<2048x64xf32>
    tpu.vector_store %arg6[%swap3A_16, %swap3A_17], %dot_general3A_15 {strides = array<i32>} : memref<2048x64xf32, #tpu.memory_space<vmem>>, vector<2048x64xf32>,
    return
  }
  func.func @transform_0(%arg0: i32) -> (i32, i32) {
    %c0_i32 = arith.constant 0 : i32
    %c0_i32_0 = arith.constant 0 : i32
    return %arg0, %c0_i32 : i32, i32
  }
  func.func @transform_1(%arg0: i32) -> (i32, i32) {
    %c0_i32 = arith.constant 0 : i32
    %c0_i32_0 = arith.constant 0 : i32
    return %arg0, %c0_i32 : i32, i32
  }
  func.func @transform_2(%arg0: i32) -> (i32, i32) {
    %c0_i32 = arith.constant 0 : i32
    %c0_i32_0 = arith.constant 0 : i32
    %c0_i32_1 = arith.constant 0 : i32
    return %c0_i32, %c0_i32_0 : i32, i32
  }
  func.func @transform_3(%arg0: i32) -> (i32, i32) {
    %c0_i32 = arith.constant 0 : i32
    %c0_i32_0 = arith.constant 0 : i32
    %c0_i32_1 = arith.constant 0 : i32
    return %c0_i32, %c0_i32_0 : i32, i32
  }
  func.func @transform_4(%arg0: i32) -> (i32, i32) {
    %c0_i32 = arith.constant 0 : i32
    %c0_i32_0 = arith.constant 0 : i32
    return %arg0, %c0_i32 : i32, i32
  }
  func.func @transform_5(%arg0: i32) -> (i32, i32) {
    %c0_i32 = arith.constant 0 : i32
    %c0_i32_0 = arith.constant 0 : i32
    return %arg0, %c0_i32 : i32, i32
  }
}

module attributes {stable_mosaic.version = 14 : i64} {
  func.func @_stats0_body(%arg0: i32, %arg1: memref<2048x128xf32, #tpu.memory_space<vmem>>, %arg2: memref<2048x64xf32, #tpu.memory_space<vmem>>, %arg3: memref<8x64xf32, #tpu.memory_space<vmem>>, %arg4: memref<8x64xf32, #tpu.memory_space<vmem>>) attributes {dimension_semantics = [#tpu.dimension_semantics<arbitrary>], iteration_bounds = array<i64: 256>, scalar_prefetch = 0 : i64, scratch_operands = 0 : i64, tpu.core_type = #tpu.core_type<tc>, window_params = [{transform_indices = @transform_0, window_bounds = array<i64: 2048, 128>}, {transform_indices = @transform_1, window_bounds = array<i64: 2048, 64>}, {pipeline_mode = #tpu.pipeline_mode<synchronous>, transform_indices = @transform_2, window_bounds = array<i64: 8, 64>}, {pipeline_mode = #tpu.pipeline_mode<synchronous>, transform_indices = @transform_3, window_bounds = array<i64: 8, 64>}]} {
    %get3A = arith.constant 0 : index
    %get3A_0 = arith.constant 0 : index
    %get3A_1 = vector.load %arg1[%get3A, %get3A_0] : memref<2048x128xf32, #tpu.memory_space<vmem>>, vector<2048x128xf32>
    %slice3A = vector.extract_strided_slice %get3A_1 {offsets = [0, 0], sizes = [2048, 64], strides = [1, 1]} : vector<2048x128xf32> to vector<2048x64xf32>
    %get3A_2 = arith.constant 0 : index
    %get3A_3 = arith.constant 0 : index
    %get3A_4 = vector.load %arg2[%get3A_2, %get3A_3] : memref<2048x64xf32, #tpu.memory_space<vmem>>, vector<2048x64xf32>
    %add3A = arith.addf %slice3A, %get3A_4 : vector<2048x64xf32>
    %eq3A = arith.constant 0 : i32
    %eq3A_5 = arith.cmpi eq, %arg0, %eq3A : i32
    %convert_element_type3A = arith.extui %eq3A_5 : i1 to i32
    %cond3A = arith.constant 0 : i32
    %cond3A_6 = arith.cmpi ne, %convert_element_type3A, %cond3A : i32
    scf.if %cond3A_6 {
      %broadcast_in_dim3A_28 = arith.constant 0.000000e+00 : f32
      %broadcast_in_dim3A_29 = vector.broadcast %broadcast_in_dim3A_28 : f32 to vector<8x64xf32>
      %swap3A_30 = arith.constant 0 : index
      %swap3A_31 = arith.constant 0 : index
      %swap3A_32 = vector.load %arg3[%swap3A_30, %swap3A_31] : memref<8x64xf32, #tpu.memory_space<vmem>>, vector<8x64xf32>
      tpu.vector_store %arg3[%swap3A_30, %swap3A_31], %broadcast_in_dim3A_29 {strides = array<i32>} : memref<8x64xf32, #tpu.memory_space<vmem>>, vector<8x64xf32>,
      %broadcast_in_dim3A_33 = arith.constant 0.000000e+00 : f32
      %broadcast_in_dim3A_34 = vector.broadcast %broadcast_in_dim3A_33 : f32 to vector<8x64xf32>
      %swap3A_35 = arith.constant 0 : index
      %swap3A_36 = arith.constant 0 : index
      %swap3A_37 = vector.load %arg4[%swap3A_35, %swap3A_36] : memref<8x64xf32, #tpu.memory_space<vmem>>, vector<8x64xf32>
      tpu.vector_store %arg4[%swap3A_35, %swap3A_36], %broadcast_in_dim3A_34 {strides = array<i32>} : memref<8x64xf32, #tpu.memory_space<vmem>>, vector<8x64xf32>,
    } else {
    }
    %reduce_sum3A = arith.constant dense<0.000000e+00> : vector<64xf32>
    %reduce_sum3A_7 = vector.multi_reduction <add>, %add3A, %reduce_sum3A [0] : vector<2048x64xf32> to vector<64xf32>
    %broadcast_in_dim3A = vector.shape_cast %reduce_sum3A_7 : vector<64xf32> to vector<1x64xf32>
    %mul3A = arith.mulf %add3A, %add3A : vector<2048x64xf32>
    %reduce_sum3A_8 = arith.constant dense<0.000000e+00> : vector<64xf32>
    %reduce_sum3A_9 = vector.multi_reduction <add>, %mul3A, %reduce_sum3A_8 [0] : vector<2048x64xf32> to vector<64xf32>
    %broadcast_in_dim3A_10 = vector.shape_cast %reduce_sum3A_9 : vector<64xf32> to vector<1x64xf32>
    %get3A_11 = arith.constant 0 : index
    %get3A_12 = arith.constant 0 : index
    %get3A_13 = vector.load %arg3[%get3A_11, %get3A_12] : memref<8x64xf32, #tpu.memory_space<vmem>>, vector<8x64xf32>
    %broadcast_in_dim3A_14 = vector.shape_cast %broadcast_in_dim3A : vector<1x64xf32> to vector<1x64xf32>
    %broadcast_in_dim3A_15 = vector.broadcast %broadcast_in_dim3A_14 : vector<1x64xf32> to vector<8x64xf32>
    %add3A_16 = arith.addf %get3A_13, %broadcast_in_dim3A_15 : vector<8x64xf32>
    %swap3A = arith.constant 0 : index
    %swap3A_17 = arith.constant 0 : index
    %swap3A_18 = vector.load %arg3[%swap3A, %swap3A_17] : memref<8x64xf32, #tpu.memory_space<vmem>>, vector<8x64xf32>
    tpu.vector_store %arg3[%swap3A, %swap3A_17], %add3A_16 {strides = array<i32>} : memref<8x64xf32, #tpu.memory_space<vmem>>, vector<8x64xf32>,
    %get3A_19 = arith.constant 0 : index
    %get3A_20 = arith.constant 0 : index
    %get3A_21 = vector.load %arg4[%get3A_19, %get3A_20] : memref<8x64xf32, #tpu.memory_space<vmem>>, vector<8x64xf32>
    %broadcast_in_dim3A_22 = vector.shape_cast %broadcast_in_dim3A_10 : vector<1x64xf32> to vector<1x64xf32>
    %broadcast_in_dim3A_23 = vector.broadcast %broadcast_in_dim3A_22 : vector<1x64xf32> to vector<8x64xf32>
    %add3A_24 = arith.addf %get3A_21, %broadcast_in_dim3A_23 : vector<8x64xf32>
    %swap3A_25 = arith.constant 0 : index
    %swap3A_26 = arith.constant 0 : index
    %swap3A_27 = vector.load %arg4[%swap3A_25, %swap3A_26] : memref<8x64xf32, #tpu.memory_space<vmem>>, vector<8x64xf32>
    tpu.vector_store %arg4[%swap3A_25, %swap3A_26], %add3A_24 {strides = array<i32>} : memref<8x64xf32, #tpu.memory_space<vmem>>, vector<8x64xf32>,
    return
  }
  func.func @transform_0(%arg0: i32) -> (i32, i32) {
    %c0_i32 = arith.constant 0 : i32
    %c0_i32_0 = arith.constant 0 : i32
    return %arg0, %c0_i32 : i32, i32
  }
  func.func @transform_1(%arg0: i32) -> (i32, i32) {
    %jit3A = arith.constant 8 : i32
    %eq3A = arith.constant 0 : i32
    %eq3A_0 = arith.cmpi eq, %jit3A, %eq3A : i32
    %jit3A_1 = arith.constant 1 : i32
    %select_n3A = arith.select %eq3A_0, %jit3A_1, %jit3A : i32
    %rem3A = arith.remsi %arg0, %select_n3A : i32
    %ne3A = arith.constant 0 : i32
    %ne3A_2 = arith.cmpi ne, %rem3A, %ne3A : i32
    %lt3A = arith.constant 0 : i32
    %lt3A_3 = arith.cmpi slt, %rem3A, %lt3A : i32
    %lt3A_4 = arith.constant 0 : i32
    %lt3A_5 = arith.cmpi slt, %select_n3A, %lt3A_4 : i32
    %ne3A_6 = arith.xori %lt3A_3, %lt3A_5 : i1
    %and3A = arith.andi %ne3A_6, %ne3A_2 : i1
    %add3A = arith.addi %rem3A, %select_n3A : i32
    %select_n3A_7 = arith.select %and3A, %add3A, %rem3A : i32
    %c0_i32 = arith.constant 0 : i32
    %c0_i32_8 = arith.constant 0 : i32
    return %select_n3A_7, %c0_i32 : i32, i32
  }
  func.func @transform_2(%arg0: i32) -> (i32, i32) {
    %c0_i32 = arith.constant 0 : i32
    %c0_i32_0 = arith.constant 0 : i32
    %c0_i32_1 = arith.constant 0 : i32
    return %c0_i32, %c0_i32_0 : i32, i32
  }
  func.func @transform_3(%arg0: i32) -> (i32, i32) {
    %c0_i32 = arith.constant 0 : i32
    %c0_i32_0 = arith.constant 0 : i32
    %c0_i32_1 = arith.constant 0 : i32
    return %c0_i32, %c0_i32_0 : i32, i32
  }
}

module attributes {stable_mosaic.version = 14 : i64} {
  func.func @_mid_bq_body(%arg0: i32, %arg1: memref<2048x128xf32, #tpu.memory_space<vmem>>, %arg2: memref<2048x64xf32, #tpu.memory_space<vmem>>, %arg3: memref<8x64xf32, #tpu.memory_space<vmem>>, %arg4: memref<8x64xf32, #tpu.memory_space<vmem>>, %arg5: memref<64x64xf32, #tpu.memory_space<vmem>>, %arg6: memref<2048x64xf32, #tpu.memory_space<vmem>>, %arg7: memref<8x64xf32, #tpu.memory_space<vmem>>, %arg8: memref<8x64xf32, #tpu.memory_space<vmem>>) attributes {dimension_semantics = [#tpu.dimension_semantics<arbitrary>], iteration_bounds = array<i64: 256>, scalar_prefetch = 0 : i64, scratch_operands = 0 : i64, tpu.core_type = #tpu.core_type<tc>, window_params = [{transform_indices = @transform_0, window_bounds = array<i64: 2048, 128>}, {transform_indices = @transform_1, window_bounds = array<i64: 2048, 64>}, {pipeline_mode = #tpu.pipeline_mode<synchronous>, transform_indices = @transform_2, window_bounds = array<i64: 8, 64>}, {pipeline_mode = #tpu.pipeline_mode<synchronous>, transform_indices = @transform_3, window_bounds = array<i64: 8, 64>}, {pipeline_mode = #tpu.pipeline_mode<synchronous>, transform_indices = @transform_4, window_bounds = array<i64: 64, 64>}, {transform_indices = @transform_5, window_bounds = array<i64: 2048, 64>}, {pipeline_mode = #tpu.pipeline_mode<synchronous>, transform_indices = @transform_6, window_bounds = array<i64: 8, 64>}, {pipeline_mode = #tpu.pipeline_mode<synchronous>, transform_indices = @transform_7, window_bounds = array<i64: 8, 64>}]} {
    %get3A = arith.constant 0 : index
    %get3A_0 = arith.constant 0 : index
    %get3A_1 = vector.load %arg1[%get3A, %get3A_0] : memref<2048x128xf32, #tpu.memory_space<vmem>>, vector<2048x128xf32>
    %slice3A = vector.extract_strided_slice %get3A_1 {offsets = [0, 0], sizes = [2048, 64], strides = [1, 1]} : vector<2048x128xf32> to vector<2048x64xf32>
    %get3A_2 = arith.constant 0 : index
    %get3A_3 = arith.constant 0 : index
    %get3A_4 = vector.load %arg2[%get3A_2, %get3A_3] : memref<2048x64xf32, #tpu.memory_space<vmem>>, vector<2048x64xf32>
    %add3A = arith.addf %slice3A, %get3A_4 : vector<2048x64xf32>
    %get3A_5 = arith.constant 0 : index
    %get3A_6 = arith.constant 0 : index
    %get3A_7 = vector.load %arg3[%get3A_5, %get3A_6] : memref<8x64xf32, #tpu.memory_space<vmem>>, vector<1x64xf32>
    %mul3A = vector.broadcast %get3A_7 : vector<1x64xf32> to vector<2048x64xf32>
    %mul3A_8 = arith.mulf %add3A, %mul3A : vector<2048x64xf32>
    %get3A_9 = arith.constant 0 : index
    %get3A_10 = arith.constant 0 : index
    %get3A_11 = vector.load %arg4[%get3A_9, %get3A_10] : memref<8x64xf32, #tpu.memory_space<vmem>>, vector<1x64xf32>
    %add3A_12 = vector.broadcast %get3A_11 : vector<1x64xf32> to vector<2048x64xf32>
    %add3A_13 = arith.addf %mul3A_8, %add3A_12 : vector<2048x64xf32>
    %ge3A = arith.constant 0.000000e+00 : f32
    %ge3A_14 = vector.broadcast %ge3A : f32 to vector<2048x64xf32>
    %ge3A_15 = arith.cmpf oge, %add3A_13, %ge3A_14 : vector<2048x64xf32>
    %mul3A_16 = arith.constant 0.00999999977 : f32
    %mul3A_17 = vector.broadcast %mul3A_16 : f32 to vector<2048x64xf32>
    %mul3A_18 = arith.mulf %mul3A_17, %add3A_13 : vector<2048x64xf32>
    %select_n3A = arith.select %ge3A_15, %add3A_13, %mul3A_18 : vector<2048x64xi1>, vector<2048x64xf32>
    %get3A_19 = arith.constant 0 : index
    %get3A_20 = arith.constant 0 : index
    %get3A_21 = vector.load %arg5[%get3A_19, %get3A_20] : memref<64x64xf32, #tpu.memory_space<vmem>>, vector<64x64xf32>
    %dot_general3A = arith.constant dense<0.000000e+00> : vector<2048x64xf32>
    %dot_general3A_22 = tpu.matmul %select_n3A, %get3A_21, %dot_general3A {dimension_numbers = #tpu.dot_dimension_numbers<[1], [0], [0], [1], [0, 0, 1, 1], [], []>, transpose_lhs_hint = false} : vector<2048x64xf32>, vector<64x64xf32>, vector<2048x64xf32> -> vector<2048x64xf32>
    %swap3A = arith.constant 0 : index
    %swap3A_23 = arith.constant 0 : index
    %swap3A_24 = vector.load %arg6[%swap3A, %swap3A_23] : memref<2048x64xf32, #tpu.memory_space<vmem>>, vector<2048x64xf32>
    tpu.vector_store %arg6[%swap3A, %swap3A_23], %dot_general3A_22 {strides = array<i32>} : memref<2048x64xf32, #tpu.memory_space<vmem>>, vector<2048x64xf32>,
    %eq3A = arith.constant 0 : i32
    %eq3A_25 = arith.cmpi eq, %arg0, %eq3A : i32
    %convert_element_type3A = arith.extui %eq3A_25 : i1 to i32
    %cond3A = arith.constant 0 : i32
    %cond3A_26 = arith.cmpi ne, %convert_element_type3A, %cond3A : i32
    scf.if %cond3A_26 {
      %broadcast_in_dim3A_50 = arith.constant 0.000000e+00 : f32
      %broadcast_in_dim3A_51 = vector.broadcast %broadcast_in_dim3A_50 : f32 to vector<8x64xf32>
      %swap3A_52 = arith.constant 0 : index
      %swap3A_53 = arith.constant 0 : index
      %swap3A_54 = vector.load %arg7[%swap3A_52, %swap3A_53] : memref<8x64xf32, #tpu.memory_space<vmem>>, vector<8x64xf32>
      tpu.vector_store %arg7[%swap3A_52, %swap3A_53], %broadcast_in_dim3A_51 {strides = array<i32>} : memref<8x64xf32, #tpu.memory_space<vmem>>, vector<8x64xf32>,
      %broadcast_in_dim3A_55 = arith.constant 0.000000e+00 : f32
      %broadcast_in_dim3A_56 = vector.broadcast %broadcast_in_dim3A_55 : f32 to vector<8x64xf32>
      %swap3A_57 = arith.constant 0 : index
      %swap3A_58 = arith.constant 0 : index
      %swap3A_59 = vector.load %arg8[%swap3A_57, %swap3A_58] : memref<8x64xf32, #tpu.memory_space<vmem>>, vector<8x64xf32>
      tpu.vector_store %arg8[%swap3A_57, %swap3A_58], %broadcast_in_dim3A_56 {strides = array<i32>} : memref<8x64xf32, #tpu.memory_space<vmem>>, vector<8x64xf32>,
    } else {
    }
    %get3A_27 = arith.constant 0 : index
    %get3A_28 = arith.constant 0 : index
    %get3A_29 = vector.load %arg7[%get3A_27, %get3A_28] : memref<8x64xf32, #tpu.memory_space<vmem>>, vector<8x64xf32>
    %reduce_sum3A = arith.constant dense<0.000000e+00> : vector<64xf32>
    %reduce_sum3A_30 = vector.multi_reduction <add>, %dot_general3A_22, %reduce_sum3A [0] : vector<2048x64xf32> to vector<64xf32>
    %broadcast_in_dim3A = vector.shape_cast %reduce_sum3A_30 : vector<64xf32> to vector<1x64xf32>
    %broadcast_in_dim3A_31 = vector.shape_cast %broadcast_in_dim3A : vector<1x64xf32> to vector<1x64xf32>
    %broadcast_in_dim3A_32 = vector.broadcast %broadcast_in_dim3A_31 : vector<1x64xf32> to vector<8x64xf32>
    %add3A_33 = arith.addf %get3A_29, %broadcast_in_dim3A_32 : vector<8x64xf32>
    %swap3A_34 = arith.constant 0 : index
    %swap3A_35 = arith.constant 0 : index
    %swap3A_36 = vector.load %arg7[%swap3A_34, %swap3A_35] : memref<8x64xf32, #tpu.memory_space<vmem>>, vector<8x64xf32>
    tpu.vector_store %arg7[%swap3A_34, %swap3A_35], %add3A_33 {strides = array<i32>} : memref<8x64xf32, #tpu.memory_space<vmem>>, vector<8x64xf32>,
    %get3A_37 = arith.constant 0 : index
    %get3A_38 = arith.constant 0 : index
    %get3A_39 = vector.load %arg8[%get3A_37, %get3A_38] : memref<8x64xf32, #tpu.memory_space<vmem>>, vector<8x64xf32>
    %mul3A_40 = arith.mulf %dot_general3A_22, %dot_general3A_22 : vector<2048x64xf32>
    %reduce_sum3A_41 = arith.constant dense<0.000000e+00> : vector<64xf32>
    %reduce_sum3A_42 = vector.multi_reduction <add>, %mul3A_40, %reduce_sum3A_41 [0] : vector<2048x64xf32> to vector<64xf32>
    %broadcast_in_dim3A_43 = vector.shape_cast %reduce_sum3A_42 : vector<64xf32> to vector<1x64xf32>
    %broadcast_in_dim3A_44 = vector.shape_cast %broadcast_in_dim3A_43 : vector<1x64xf32> to vector<1x64xf32>
    %broadcast_in_dim3A_45 = vector.broadcast %broadcast_in_dim3A_44 : vector<1x64xf32> to vector<8x64xf32>
    %add3A_46 = arith.addf %get3A_39, %broadcast_in_dim3A_45 : vector<8x64xf32>
    %swap3A_47 = arith.constant 0 : index
    %swap3A_48 = arith.constant 0 : index
    %swap3A_49 = vector.load %arg8[%swap3A_47, %swap3A_48] : memref<8x64xf32, #tpu.memory_space<vmem>>, vector<8x64xf32>
    tpu.vector_store %arg8[%swap3A_47, %swap3A_48], %add3A_46 {strides = array<i32>} : memref<8x64xf32, #tpu.memory_space<vmem>>, vector<8x64xf32>,
    return
  }
  func.func @transform_0(%arg0: i32) -> (i32, i32) {
    %c0_i32 = arith.constant 0 : i32
    %c0_i32_0 = arith.constant 0 : i32
    return %arg0, %c0_i32 : i32, i32
  }
  func.func @transform_1(%arg0: i32) -> (i32, i32) {
    %jit3A = arith.constant 8 : i32
    %eq3A = arith.constant 0 : i32
    %eq3A_0 = arith.cmpi eq, %jit3A, %eq3A : i32
    %jit3A_1 = arith.constant 1 : i32
    %select_n3A = arith.select %eq3A_0, %jit3A_1, %jit3A : i32
    %rem3A = arith.remsi %arg0, %select_n3A : i32
    %ne3A = arith.constant 0 : i32
    %ne3A_2 = arith.cmpi ne, %rem3A, %ne3A : i32
    %lt3A = arith.constant 0 : i32
    %lt3A_3 = arith.cmpi slt, %rem3A, %lt3A : i32
    %lt3A_4 = arith.constant 0 : i32
    %lt3A_5 = arith.cmpi slt, %select_n3A, %lt3A_4 : i32
    %ne3A_6 = arith.xori %lt3A_3, %lt3A_5 : i1
    %and3A = arith.andi %ne3A_6, %ne3A_2 : i1
    %add3A = arith.addi %rem3A, %select_n3A : i32
    %select_n3A_7 = arith.select %and3A, %add3A, %rem3A : i32
    %c0_i32 = arith.constant 0 : i32
    %c0_i32_8 = arith.constant 0 : i32
    return %select_n3A_7, %c0_i32 : i32, i32
  }
  func.func @transform_2(%arg0: i32) -> (i32, i32) {
    %c0_i32 = arith.constant 0 : i32
    %c0_i32_0 = arith.constant 0 : i32
    %c0_i32_1 = arith.constant 0 : i32
    return %c0_i32, %c0_i32_0 : i32, i32
  }
  func.func @transform_3(%arg0: i32) -> (i32, i32) {
    %c0_i32 = arith.constant 0 : i32
    %c0_i32_0 = arith.constant 0 : i32
    %c0_i32_1 = arith.constant 0 : i32
    return %c0_i32, %c0_i32_0 : i32, i32
  }
  func.func @transform_4(%arg0: i32) -> (i32, i32) {
    %c0_i32 = arith.constant 0 : i32
    %c0_i32_0 = arith.constant 0 : i32
    %c0_i32_1 = arith.constant 0 : i32
    return %c0_i32, %c0_i32_0 : i32, i32
  }
  func.func @transform_5(%arg0: i32) -> (i32, i32) {
    %c0_i32 = arith.constant 0 : i32
    %c0_i32_0 = arith.constant 0 : i32
    return %arg0, %c0_i32 : i32, i32
  }
  func.func @transform_6(%arg0: i32) -> (i32, i32) {
    %c0_i32 = arith.constant 0 : i32
    %c0_i32_0 = arith.constant 0 : i32
    %c0_i32_1 = arith.constant 0 : i32
    return %c0_i32, %c0_i32_0 : i32, i32
  }
  func.func @transform_7(%arg0: i32) -> (i32, i32) {
    %c0_i32 = arith.constant 0 : i32
    %c0_i32_0 = arith.constant 0 : i32
    %c0_i32_1 = arith.constant 0 : i32
    return %c0_i32, %c0_i32_0 : i32, i32
  }
}

module attributes {stable_mosaic.version = 14 : i64} {
  func.func @_mid_max_body(%arg0: i32, %arg1: i32, %arg2: memref<2048x64xf32, #tpu.memory_space<vmem>>, %arg3: memref<8x64xf32, #tpu.memory_space<vmem>>, %arg4: memref<8x64xf32, #tpu.memory_space<vmem>>, %arg5: memref<64x128xf32, #tpu.memory_space<vmem>>, %arg6: memref<2048x128xf32, #tpu.memory_space<vmem>>, %arg7: memref<2048x128xf32, #tpu.memory_space<vmem>>, %arg8: memref<8x128xf32, #tpu.memory_space<vmem>>, %arg9: memref<8x128xf32, #tpu.memory_space<vmem>>) attributes {dimension_semantics = [#tpu.dimension_semantics<arbitrary>, #tpu.dimension_semantics<arbitrary>], iteration_bounds = array<i64: 8, 32>, scalar_prefetch = 0 : i64, scratch_operands = 0 : i64, tpu.core_type = #tpu.core_type<tc>, window_params = [{transform_indices = @transform_0, window_bounds = array<i64: 2048, 64>}, {pipeline_mode = #tpu.pipeline_mode<synchronous>, transform_indices = @transform_1, window_bounds = array<i64: 8, 64>}, {pipeline_mode = #tpu.pipeline_mode<synchronous>, transform_indices = @transform_2, window_bounds = array<i64: 8, 64>}, {pipeline_mode = #tpu.pipeline_mode<synchronous>, transform_indices = @transform_3, window_bounds = array<i64: 64, 128>}, {transform_indices = @transform_4, window_bounds = array<i64: 2048, 128>}, {transform_indices = @transform_5, window_bounds = array<i64: 2048, 128>}, {pipeline_mode = #tpu.pipeline_mode<synchronous>, transform_indices = @transform_6, window_bounds = array<i64: 8, 128>}, {pipeline_mode = #tpu.pipeline_mode<synchronous>, transform_indices = @transform_7, window_bounds = array<i64: 8, 128>}]} {
    %get3A = arith.constant 0 : index
    %get3A_0 = arith.constant 0 : index
    %get3A_1 = vector.load %arg2[%get3A, %get3A_0] : memref<2048x64xf32, #tpu.memory_space<vmem>>, vector<2048x64xf32>
    %get3A_2 = arith.constant 0 : index
    %get3A_3 = arith.constant 0 : index
    %get3A_4 = vector.load %arg3[%get3A_2, %get3A_3] : memref<8x64xf32, #tpu.memory_space<vmem>>, vector<1x64xf32>
    %mul3A = vector.broadcast %get3A_4 : vector<1x64xf32> to vector<2048x64xf32>
    %mul3A_5 = arith.mulf %get3A_1, %mul3A : vector<2048x64xf32>
    %get3A_6 = arith.constant 0 : index
    %get3A_7 = arith.constant 0 : index
    %get3A_8 = vector.load %arg4[%get3A_6, %get3A_7] : memref<8x64xf32, #tpu.memory_space<vmem>>, vector<1x64xf32>
    %add3A = vector.broadcast %get3A_8 : vector<1x64xf32> to vector<2048x64xf32>
    %add3A_9 = arith.addf %mul3A_5, %add3A : vector<2048x64xf32>
    %ge3A = arith.constant 0.000000e+00 : f32
    %ge3A_10 = vector.broadcast %ge3A : f32 to vector<2048x64xf32>
    %ge3A_11 = arith.cmpf oge, %add3A_9, %ge3A_10 : vector<2048x64xf32>
    %mul3A_12 = arith.constant 0.00999999977 : f32
    %mul3A_13 = vector.broadcast %mul3A_12 : f32 to vector<2048x64xf32>
    %mul3A_14 = arith.mulf %mul3A_13, %add3A_9 : vector<2048x64xf32>
    %select_n3A = arith.select %ge3A_11, %add3A_9, %mul3A_14 : vector<2048x64xi1>, vector<2048x64xf32>
    %get3A_15 = arith.constant 0 : index
    %get3A_16 = arith.constant 0 : index
    %get3A_17 = vector.load %arg5[%get3A_15, %get3A_16] : memref<64x128xf32, #tpu.memory_space<vmem>>, vector<64x128xf32>
    %dot_general3A = arith.constant dense<0.000000e+00> : vector<2048x128xf32>
    %dot_general3A_18 = tpu.matmul %select_n3A, %get3A_17, %dot_general3A {dimension_numbers = #tpu.dot_dimension_numbers<[1], [0], [0], [1], [0, 0, 1, 1], [], []>, transpose_lhs_hint = false} : vector<2048x64xf32>, vector<64x128xf32>, vector<2048x128xf32> -> vector<2048x128xf32>
    %eq3A = arith.constant 0 : i32
    %eq3A_19 = arith.cmpi eq, %arg0, %eq3A : i32
    %eq3A_20 = arith.constant 0 : i32
    %eq3A_21 = arith.cmpi eq, %arg1, %eq3A_20 : i32
    %and3A = arith.andi %eq3A_19, %eq3A_21 : i1
    %convert_element_type3A = arith.extui %and3A : i1 to i32
    %cond3A = arith.constant 0 : i32
    %cond3A_22 = arith.cmpi ne, %convert_element_type3A, %cond3A : i32
    scf.if %cond3A_22 {
      %broadcast_in_dim3A_54 = arith.constant 0.000000e+00 : f32
      %broadcast_in_dim3A_55 = vector.broadcast %broadcast_in_dim3A_54 : f32 to vector<8x128xf32>
      %swap3A_56 = arith.constant 0 : index
      %swap3A_57 = arith.constant 0 : index
      %swap3A_58 = vector.load %arg8[%swap3A_56, %swap3A_57] : memref<8x128xf32, #tpu.memory_space<vmem>>, vector<8x128xf32>
      tpu.vector_store %arg8[%swap3A_56, %swap3A_57], %broadcast_in_dim3A_55 {strides = array<i32>} : memref<8x128xf32, #tpu.memory_space<vmem>>, vector<8x128xf32>,
      %broadcast_in_dim3A_59 = arith.constant 0.000000e+00 : f32
      %broadcast_in_dim3A_60 = vector.broadcast %broadcast_in_dim3A_59 : f32 to vector<8x128xf32>
      %swap3A_61 = arith.constant 0 : index
      %swap3A_62 = arith.constant 0 : index
      %swap3A_63 = vector.load %arg9[%swap3A_61, %swap3A_62] : memref<8x128xf32, #tpu.memory_space<vmem>>, vector<8x128xf32>
      tpu.vector_store %arg9[%swap3A_61, %swap3A_62], %broadcast_in_dim3A_60 {strides = array<i32>} : memref<8x128xf32, #tpu.memory_space<vmem>>, vector<8x128xf32>,
    } else {
    }
    %get3A_23 = arith.constant 0 : index
    %get3A_24 = arith.constant 0 : index
    %get3A_25 = vector.load %arg8[%get3A_23, %get3A_24] : memref<8x128xf32, #tpu.memory_space<vmem>>, vector<8x128xf32>
    %reduce_sum3A = arith.constant dense<0.000000e+00> : vector<128xf32>
    %reduce_sum3A_26 = vector.multi_reduction <add>, %dot_general3A_18, %reduce_sum3A [0] : vector<2048x128xf32> to vector<128xf32>
    %broadcast_in_dim3A = vector.shape_cast %reduce_sum3A_26 : vector<128xf32> to vector<1x128xf32>
    %broadcast_in_dim3A_27 = vector.shape_cast %broadcast_in_dim3A : vector<1x128xf32> to vector<1x128xf32>
    %broadcast_in_dim3A_28 = vector.broadcast %broadcast_in_dim3A_27 : vector<1x128xf32> to vector<8x128xf32>
    %add3A_29 = arith.addf %get3A_25, %broadcast_in_dim3A_28 : vector<8x128xf32>
    %swap3A = arith.constant 0 : index
    %swap3A_30 = arith.constant 0 : index
    %swap3A_31 = vector.load %arg8[%swap3A, %swap3A_30] : memref<8x128xf32, #tpu.memory_space<vmem>>, vector<8x128xf32>
    tpu.vector_store %arg8[%swap3A, %swap3A_30], %add3A_29 {strides = array<i32>} : memref<8x128xf32, #tpu.memory_space<vmem>>, vector<8x128xf32>,
    %get3A_32 = arith.constant 0 : index
    %get3A_33 = arith.constant 0 : index
    %get3A_34 = vector.load %arg9[%get3A_32, %get3A_33] : memref<8x128xf32, #tpu.memory_space<vmem>>, vector<8x128xf32>
    %mul3A_35 = arith.mulf %dot_general3A_18, %dot_general3A_18 : vector<2048x128xf32>
    %reduce_sum3A_36 = arith.constant dense<0.000000e+00> : vector<128xf32>
    %reduce_sum3A_37 = vector.multi_reduction <add>, %mul3A_35, %reduce_sum3A_36 [0] : vector<2048x128xf32> to vector<128xf32>
    %broadcast_in_dim3A_38 = vector.shape_cast %reduce_sum3A_37 : vector<128xf32> to vector<1x128xf32>
    %broadcast_in_dim3A_39 = vector.shape_cast %broadcast_in_dim3A_38 : vector<1x128xf32> to vector<1x128xf32>
    %broadcast_in_dim3A_40 = vector.broadcast %broadcast_in_dim3A_39 : vector<1x128xf32> to vector<8x128xf32>
    %add3A_41 = arith.addf %get3A_34, %broadcast_in_dim3A_40 : vector<8x128xf32>
    %swap3A_42 = arith.constant 0 : index
    %swap3A_43 = arith.constant 0 : index
    %swap3A_44 = vector.load %arg9[%swap3A_42, %swap3A_43] : memref<8x128xf32, #tpu.memory_space<vmem>>, vector<8x128xf32>
    tpu.vector_store %arg9[%swap3A_42, %swap3A_43], %add3A_41 {strides = array<i32>} : memref<8x128xf32, #tpu.memory_space<vmem>>, vector<8x128xf32>,
    %eq3A_45 = arith.constant 0 : i32
    %eq3A_46 = arith.cmpi eq, %arg1, %eq3A_45 : i32
    %convert_element_type3A_47 = arith.extui %eq3A_46 : i1 to i32
    %cond3A_48 = arith.constant 0 : i32
    %cond3A_49 = arith.cmpi ne, %convert_element_type3A_47, %cond3A_48 : i32
    scf.if %cond3A_49 {
      %swap3A_54 = arith.constant 0 : index
      %swap3A_55 = arith.constant 0 : index
      %swap3A_56 = vector.load %arg6[%swap3A_54, %swap3A_55] : memref<2048x128xf32, #tpu.memory_space<vmem>>, vector<2048x128xf32>
      tpu.vector_store %arg6[%swap3A_54, %swap3A_55], %dot_general3A_18 {strides = array<i32>} : memref<2048x128xf32, #tpu.memory_space<vmem>>, vector<2048x128xf32>,
      %swap3A_57 = arith.constant 0 : index
      %swap3A_58 = arith.constant 0 : index
      %swap3A_59 = vector.load %arg7[%swap3A_57, %swap3A_58] : memref<2048x128xf32, #tpu.memory_space<vmem>>, vector<2048x128xf32>
      tpu.vector_store %arg7[%swap3A_57, %swap3A_58], %dot_general3A_18 {strides = array<i32>} : memref<2048x128xf32, #tpu.memory_space<vmem>>, vector<2048x128xf32>,
    } else {
    }
    %gt3A = arith.constant 0 : i32
    %gt3A_50 = arith.cmpi sgt, %arg1, %gt3A : i32
    %convert_element_type3A_51 = arith.extui %gt3A_50 : i1 to i32
    %cond3A_52 = arith.constant 0 : i32
    %cond3A_53 = arith.cmpi ne, %convert_element_type3A_51, %cond3A_52 : i32
    scf.if %cond3A_53 {
      %get3A_54 = arith.constant 0 : index
      %get3A_55 = arith.constant 0 : index
      %get3A_56 = vector.load %arg6[%get3A_54, %get3A_55] : memref<2048x128xf32, #tpu.memory_space<vmem>>, vector<2048x128xf32>
      %max3A = arith.maximumf %get3A_56, %dot_general3A_18 : vector<2048x128xf32>
      %swap3A_57 = arith.constant 0 : index
      %swap3A_58 = arith.constant 0 : index
      %swap3A_59 = vector.load %arg6[%swap3A_57, %swap3A_58] : memref<2048x128xf32, #tpu.memory_space<vmem>>, vector<2048x128xf32>
      tpu.vector_store %arg6[%swap3A_57, %swap3A_58], %max3A {strides = array<i32>} : memref<2048x128xf32, #tpu.memory_space<vmem>>, vector<2048x128xf32>,
      %get3A_60 = arith.constant 0 : index
      %get3A_61 = arith.constant 0 : index
      %get3A_62 = vector.load %arg7[%get3A_60, %get3A_61] : memref<2048x128xf32, #tpu.memory_space<vmem>>, vector<2048x128xf32>
      %min3A = arith.minimumf %get3A_62, %dot_general3A_18 : vector<2048x128xf32>
      %swap3A_63 = arith.constant 0 : index
      %swap3A_64 = arith.constant 0 : index
      %swap3A_65 = vector.load %arg7[%swap3A_63, %swap3A_64] : memref<2048x128xf32, #tpu.memory_space<vmem>>, vector<2048x128xf32>
      tpu.vector_store %arg7[%swap3A_63, %swap3A_64], %min3A {strides = array<i32>} : memref<2048x128xf32, #tpu.memory_space<vmem>>, vector<2048x128xf32>,
    } else {
    }
    return
  }
  func.func @transform_0(%arg0: i32, %arg1: i32) -> (i32, i32) {
    %mul3A = arith.constant 8 : i32
    %mul3A_0 = arith.muli %arg1, %mul3A : i32
    %add3A = arith.addi %mul3A_0, %arg0 : i32
    %c0_i32 = arith.constant 0 : i32
    %c0_i32_1 = arith.constant 0 : i32
    return %add3A, %c0_i32 : i32, i32
  }
  func.func @transform_1(%arg0: i32, %arg1: i32) -> (i32, i32) {
    %c0_i32 = arith.constant 0 : i32
    %c0_i32_0 = arith.constant 0 : i32
    %c0_i32_1 = arith.constant 0 : i32
    return %c0_i32, %c0_i32_0 : i32, i32
  }
  func.func @transform_2(%arg0: i32, %arg1: i32) -> (i32, i32) {
    %c0_i32 = arith.constant 0 : i32
    %c0_i32_0 = arith.constant 0 : i32
    %c0_i32_1 = arith.constant 0 : i32
    return %c0_i32, %c0_i32_0 : i32, i32
  }
  func.func @transform_3(%arg0: i32, %arg1: i32) -> (i32, i32) {
    %c0_i32 = arith.constant 0 : i32
    %c0_i32_0 = arith.constant 0 : i32
    %c0_i32_1 = arith.constant 0 : i32
    return %c0_i32, %c0_i32_0 : i32, i32
  }
  func.func @transform_4(%arg0: i32, %arg1: i32) -> (i32, i32) {
    %c0_i32 = arith.constant 0 : i32
    %c0_i32_0 = arith.constant 0 : i32
    return %arg0, %c0_i32 : i32, i32
  }
  func.func @transform_5(%arg0: i32, %arg1: i32) -> (i32, i32) {
    %c0_i32 = arith.constant 0 : i32
    %c0_i32_0 = arith.constant 0 : i32
    return %arg0, %c0_i32 : i32, i32
  }
  func.func @transform_6(%arg0: i32, %arg1: i32) -> (i32, i32) {
    %c0_i32 = arith.constant 0 : i32
    %c0_i32_0 = arith.constant 0 : i32
    %c0_i32_1 = arith.constant 0 : i32
    return %c0_i32, %c0_i32_0 : i32, i32
  }
  func.func @transform_7(%arg0: i32, %arg1: i32) -> (i32, i32) {
    %c0_i32 = arith.constant 0 : i32
    %c0_i32_0 = arith.constant 0 : i32
    %c0_i32_1 = arith.constant 0 : i32
    return %c0_i32, %c0_i32_0 : i32, i32
  }
}

module attributes {stable_mosaic.version = 14 : i64} {
  func.func @_final_body(%arg0: i32, %arg1: memref<2048x128xf32, #tpu.memory_space<vmem>>, %arg2: memref<2048x128xf32, #tpu.memory_space<vmem>>, %arg3: memref<8x128xf32, #tpu.memory_space<vmem>>, %arg4: memref<8x128xf32, #tpu.memory_space<vmem>>, %arg5: memref<2048x128xf32, #tpu.memory_space<vmem>>) attributes {dimension_semantics = [#tpu.dimension_semantics<arbitrary>], iteration_bounds = array<i64: 8>, scalar_prefetch = 0 : i64, scratch_operands = 0 : i64, tpu.core_type = #tpu.core_type<tc>, window_params = [{transform_indices = @transform_0, window_bounds = array<i64: 2048, 128>}, {transform_indices = @transform_1, window_bounds = array<i64: 2048, 128>}, {pipeline_mode = #tpu.pipeline_mode<synchronous>, transform_indices = @transform_2, window_bounds = array<i64: 8, 128>}, {pipeline_mode = #tpu.pipeline_mode<synchronous>, transform_indices = @transform_3, window_bounds = array<i64: 8, 128>}, {transform_indices = @transform_4, window_bounds = array<i64: 2048, 128>}]} {
    %get3A = arith.constant 0 : index
    %get3A_0 = arith.constant 0 : index
    %get3A_1 = vector.load %arg3[%get3A, %get3A_0] : memref<8x128xf32, #tpu.memory_space<vmem>>, vector<1x128xf32>
    %ge3A = arith.constant 0.000000e+00 : f32
    %ge3A_2 = vector.broadcast %ge3A : f32 to vector<1x128xf32>
    %ge3A_3 = arith.cmpf oge, %get3A_1, %ge3A_2 : vector<1x128xf32>
    %get3A_4 = arith.constant 0 : index
    %get3A_5 = arith.constant 0 : index
    %get3A_6 = vector.load %arg1[%get3A_4, %get3A_5] : memref<2048x128xf32, #tpu.memory_space<vmem>>, vector<2048x128xf32>
    %mul3A = vector.broadcast %get3A_1 : vector<1x128xf32> to vector<2048x128xf32>
    %mul3A_7 = arith.mulf %get3A_6, %mul3A : vector<2048x128xf32>
    %get3A_8 = arith.constant 0 : index
    %get3A_9 = arith.constant 0 : index
    %get3A_10 = vector.load %arg2[%get3A_8, %get3A_9] : memref<2048x128xf32, #tpu.memory_space<vmem>>, vector<2048x128xf32>
    %mul3A_11 = vector.broadcast %get3A_1 : vector<1x128xf32> to vector<2048x128xf32>
    %mul3A_12 = arith.mulf %get3A_10, %mul3A_11 : vector<2048x128xf32>
    %broadcast_in_dim3A = vector.shape_cast %ge3A_3 : vector<1x128xi1> to vector<1x128xi1>
    %broadcast_in_dim3A_13 = vector.broadcast %broadcast_in_dim3A : vector<1x128xi1> to vector<2048x128xi1>
    %select_n3A = arith.select %broadcast_in_dim3A_13, %mul3A_7, %mul3A_12 : vector<2048x128xi1>, vector<2048x128xf32>
    %get3A_14 = arith.constant 0 : index
    %get3A_15 = arith.constant 0 : index
    %get3A_16 = vector.load %arg4[%get3A_14, %get3A_15] : memref<8x128xf32, #tpu.memory_space<vmem>>, vector<1x128xf32>
    %add3A = vector.broadcast %get3A_16 : vector<1x128xf32> to vector<2048x128xf32>
    %add3A_17 = arith.addf %select_n3A, %add3A : vector<2048x128xf32>
    %ge3A_18 = arith.constant 0.000000e+00 : f32
    %ge3A_19 = vector.broadcast %ge3A_18 : f32 to vector<2048x128xf32>
    %ge3A_20 = arith.cmpf oge, %add3A_17, %ge3A_19 : vector<2048x128xf32>
    %mul3A_21 = arith.constant 0.00999999977 : f32
    %mul3A_22 = vector.broadcast %mul3A_21 : f32 to vector<2048x128xf32>
    %mul3A_23 = arith.mulf %mul3A_22, %add3A_17 : vector<2048x128xf32>
    %select_n3A_24 = arith.select %ge3A_20, %add3A_17, %mul3A_23 : vector<2048x128xi1>, vector<2048x128xf32>
    %swap3A = arith.constant 0 : index
    %swap3A_25 = arith.constant 0 : index
    %swap3A_26 = vector.load %arg5[%swap3A, %swap3A_25] : memref<2048x128xf32, #tpu.memory_space<vmem>>, vector<2048x128xf32>
    tpu.vector_store %arg5[%swap3A, %swap3A_25], %select_n3A_24 {strides = array<i32>} : memref<2048x128xf32, #tpu.memory_space<vmem>>, vector<2048x128xf32>,
    return
  }
  func.func @transform_0(%arg0: i32) -> (i32, i32) {
    %c0_i32 = arith.constant 0 : i32
    %c0_i32_0 = arith.constant 0 : i32
    return %arg0, %c0_i32 : i32, i32
  }
  func.func @transform_1(%arg0: i32) -> (i32, i32) {
    %c0_i32 = arith.constant 0 : i32
    %c0_i32_0 = arith.constant 0 : i32
    return %arg0, %c0_i32 : i32, i32
  }
  func.func @transform_2(%arg0: i32) -> (i32, i32) {
    %c0_i32 = arith.constant 0 : i32
    %c0_i32_0 = arith.constant 0 : i32
    %c0_i32_1 = arith.constant 0 : i32
    return %c0_i32, %c0_i32_0 : i32, i32
  }
  func.func @transform_3(%arg0: i32) -> (i32, i32) {
    %c0_i32 = arith.constant 0 : i32
    %c0_i32_0 = arith.constant 0 : i32
    %c0_i32_1 = arith.constant 0 : i32
    return %c0_i32, %c0_i32_0 : i32, i32
  }
  func.func @transform_4(%arg0: i32) -> (i32, i32) {
    %c0_i32 = arith.constant 0 : i32
    %c0_i32_0 = arith.constant 0 : i32
    return %arg0, %c0_i32 : i32, i32
  }
}

</mosaic_0001>

<sc_bundles>
// kernel: kernel.9.cloned.1.call-start
scs
__scs_entry_jumppad:
0x0: {  	(pc) =	sbr.rel $0x88, $3  }
0x1: {  	(tag) =	ssettag $0x0;
	lr =	simm.s32 $0x1  }
0x2: {  	[smem:$0x3F94] =	sst lr;
	_ =	strace $0xD0000000  }
0x3: {  	_ = 	snop  }
0x4: {  	_ = 	snop  }
0x5: {  	_ = 	snop  }
0x6: {  	_ = 	snop  }
0x7: {  	_ = 	snop  }
__scs_overlays_trampoline_lowered:
0x8: {  	[smem:$0x3FA3] =	sst s0  }
0x9: {  	[smem:$0x3FA4] =	sst s1  }
0xa: {  	[smem:$0x3FA5] =	sst s2  }
0xb: {  	[smem:$0x3FA6] =	sst s3  }
0xc: {  	[smem:$0x3FA7] =	sst s4  }
0xd: {  	[smem:$0x3FA8] =	sst s5  }
0xe: {  	[smem:$0x3FA9] =	sst s6  }
0xf: {  	[smem:$0x3FAA] =	sst s7  }
0x10: {  	[smem:$0x3FAB] =	sst s8  }
0x11: {  	[smem:$0x3FAC] =	sst s9;
	s0 =	simm.s32 @!p0 $0x0  }
0x12: {  	s1 =	sld [smem:$0x3F92];
	s0 =	simm.s32 @p0 $0x1  }
0x13: {  	[smem:$0x3FAD] =	sst s0;
	s0 =	simm.s32 @!p1 $0x0  }
0x14: {  	s2 =	sld [smem:$0x3F91];
	s0 =	simm.s32 @p1 $0x1  }
0x15: {  	[smem:$0x3FAE] =	sst s0;
	s0 =	simm.s32 @!p2 $0x0  }
0x16: {  	s3 =	sld [smem:$0x3FDB];
	s0 =	simm.s32 @p2 $0x1  }
0x17: {  	s4 =	simm.s32 $0x1BF5;
	[smem:$0x3FB0] =	sst s0  }
0x18: {  	s0 =	sld [smem:$0x3F93];
	_ =	swait.ge [sflag:s4], $0x0  }
0x19: {  	s7 =	sld [smem:$0x3F94]  }
0x1a: {  	s8 =	sadd.s32 $0xFFFFE003, lr  }
0x1b: {  	s9 =	sadd.s32 $0xFFFFFEF7, lr;
	s5 =	simm.s32 $0xFFFFFFFF;
	p2 =	slt.u32 s8, $0xFFFFF086  }
0x1c: {  	p1 =	slt.u32 s9, $0xF7A;
	s5 =	simm.s32 @!p2 $0x0  }
0x1d: {  	s5 =	simm.s32 @p1 $0x1;
	p0 =	seq.s32 s7, s2  }
0x1e: {  	s7 =	smul.u32 @!p0 $0xF7A, s2;
	p2 =	seq.s32 @!p0 s5, $0x0  }
0x1f: {  	s9 =	smul.u32 $0xF7A, s1;
	s8 =	simm.s32 @!p0 $0x1BF5;
	p2 =	por !p2, p0  }
0x20: {  	[sflag:s8] =	ssyncset.s32 @!p0 $0xFFFFF086;
	s6 =	sadd.s32 @!p0 s3, s7;
	s7 =	simm.s32 @!p0 $0x108  }
0x21: {  	s3 =	sadd.s32 s3, s9;
	s6 =	sadd.s32 @!p0 $0x88, s6;
	s7 =	simm.s32 @p2 $0x1082  }
0x22: {  	[simem:s7], [sflag:s8] =	dma.local @!p0 [hbm:s6], $0xF7A  }
0x23: {  	s9 =	sor.u32 $0xD0000000, s2;
	s6 =	simm.s32 $0x108;
	_ =	swait.ge @!p0 [sflag:s8], $0x0  }
0x24: {  	s3 =	sadd.s32 $0x88, s3;
	s6 =	simm.s32 @!p1 $0x1082;
	[sflag:s4] =	ssyncset.s32 $0xFFFFF086  }
0x25: {  	[simem:s6], [sflag:s4] =	dma.local [hbm:s3], $0xF7A  }
0x26: {  	[smem:$0x3F94] =	sst s1;
	(tag) =	ssettag s2;
	_ =	strace s9  }
0x27: {  	s1 =	sld [smem:$0x3FA4]  }
0x28: {  	s2 =	sld [smem:$0x3FA5]  }
0x29: {  	s4 =	sld [smem:$0x3FA7]  }
0x2a: {  	p0 =	seq.s32 s5, $0x0;
	s5 =	sld [smem:$0x3FA8]  }
0x2b: {  	s6 =	sld [smem:$0x3FA9]  }
0x2c: {  	s7 =	sld [smem:$0x3FAA]  }
0x2d: {  	s3 =	simm.s32 $0x108;
	s8 =	sld [smem:$0x3FAB]  }
0x2e: {  	s3 =	simm.s32 @!p0 $0x1082;
	s9 =	sld [smem:$0x3FAC]  }
0x2f: {  	lr =	sadd.s32 s0, s3;
	s0 =	sld [smem:$0x3FA3]  }
0x30: {  	s3 =	sld [smem:$0x3FA6]  }
0x31: {  	[smem:$0x3FAF] =	sst s10  }
0x32: {  	s10 =	sld [smem:$0x3FAD];
	_ =	sdelay $0x3  }
0x33: {  	p0 =	seq.s32 s10, $0x1;
	s10 =	sld [smem:$0x3FAF];
	_ =	sdelay $0x3  }
0x34: {  	[smem:$0x3FAF] =	sst s10  }
0x35: {  	s10 =	sld [smem:$0x3FAE];
	_ =	sdelay $0x3  }
0x36: {  	p1 =	seq.s32 s10, $0x1;
	s10 =	sld [smem:$0x3FAF];
	_ =	sdelay $0x3  }
0x37: {  	[smem:$0x3FAF] =	sst s10  }
0x38: {  	s10 =	sld [smem:$0x3FB0]  }
0x39: {  	_ = 	snop;
	(pc) =	sbr.ind lr, $3  }
0x3a: {  	_ = 	snop  }
0x3b: {  	_ = 	snop  }
0x3c: {  	p2 =	seq.s32 s10, $0x1;
	s10 =	sld [smem:$0x3FAF]  }
0x3d: {  	_ =	shalt  }
0x3e: {  	_ =	shalt  }
0x3f: {  	_ =	shalt  }
0x40: {  	_ =	shalt  }
0x41: {  	_ =	shalt  }
0x42: {  	_ =	shalt  }
0x43: {  	_ =	shalt  }
0x44: {  	_ =	shalt  }
0x45: {  	_ =	shalt  }
0x46: {  	_ =	shalt  }
0x47: {  	_ =	shalt  }
0x48: {  	_ =	shalt  }
0x49: {  	_ =	shalt  }
0x4a: {  	_ =	shalt  }
0x4b: {  	_ =	shalt  }
0x4c: {  	_ =	shalt  }
0x4d: {  	_ =	shalt  }
0x4e: {  	_ =	shalt  }
0x4f: {  	_ =	shalt  }
0x50: {  	_ =	shalt  }
0x51: {  	_ =	shalt  }
0x52: {  	_ =	shalt  }
0x53: {  	_ =	shalt  }
0x54: {  	_ =	shalt  }
0x55: {  	_ =	shalt  }
0x56: {  	_ =	shalt  }
0x57: {  	_ =	shalt  }
0x58: {  	_ =	shalt  }
0x59: {  	_ =	shalt  }
0x5a: {  	_ =	shalt  }
0x5b: {  	_ =	shalt  }
0x5c: {  	_ =	shalt  }
0x5d: {  	_ =	shalt  }
0x5e: {  	_ =	shalt  }
0x5f: {  	_ =	shalt  }
0x60: {  	_ =	shalt  }
0x61: {  	_ =	shalt  }
0x62: {  	_ =	shalt  }
0x63: {  	_ =	shalt  }
0x64: {  	_ =	shalt  }
0x65: {  	_ =	shalt  }
0x66: {  	_ =	shalt  }
0x67: {  	_ =	shalt  }
0x68: {  	_ =	shalt  }
0x69: {  	_ =	shalt  }
0x6a: {  	_ =	shalt  }
0x6b: {  	_ =	shalt  }
0x6c: {  	_ =	shalt  }
0x6d: {  	_ =	shalt  }
0x6e: {  	_ =	shalt  }
0x6f: {  	_ =	shalt  }
0x70: {  	_ =	shalt  }
0x71: {  	_ =	shalt  }
0x72: {  	_ =	shalt  }
0x73: {  	_ =	shalt  }
0x74: {  	_ =	shalt  }
0x75: {  	_ =	shalt  }
0x76: {  	_ =	shalt  }
0x77: {  	_ =	shalt  }
0x78: {  	_ =	shalt  }
0x79: {  	_ =	shalt  }
0x7a: {  	_ =	shalt  }
0x7b: {  	_ =	shalt  }
0x7c: {  	_ =	shalt  }
0x7d: {  	_ =	shalt  }
0x7e: {  	_ =	shalt  }
0x7f: {  	_ =	shalt  }
0x80: {  	_ =	shalt  }
0x81: {  	_ =	shalt  }
0x82: {  	_ =	shalt  }
0x83: {  	_ =	shalt  }
0x84: {  	_ =	shalt  }
0x85: {  	_ =	shalt  }
0x86: {  	_ =	shalt  }
0x87: {  	_ =	shalt  }
.Lfunc_end0:
.L_simem_size_0:
called_computation_lowered:
.L_overlay_start_0:
0x88: {  	s2 =	sld [smem:$0x3FD9]  }
0x89: {  	s3 =	sld [smem:$0x3FFE];
	_ =	sdelay $0x1  }
0x8a: {  	s1 =	srdreg.scid  }
0x8b: {  	s0 =	sand.u32 $0x1, s1  }
0x8c: {  	s14 =	sshll.u32 s0, $0xA;
	s2 =	sadd.s32 s3, s2  }
0x8d: {  	s2 =	sadd.s32 s2, s14  }
0x8e: {  	[smem:$0x3FBB] =	sst s2  }
0x8f: {  	_ = 	snop  }
0x90: {  	s2 =	sld [smem:$0x3FD0];
	_ =	sdelay $0x2  }
0x91: {  	s15 =	simm.s32 $0xA;
	s4 =	simm.s32 $0x10  }
0x92: {  	[smem:s4], [sflag:s15] =	dma.local [hbm:s2], $0x1  }
0x93: {  	_ =	swait.eq [sflag:s15], $0x1  }
0x94: {  	[sflag:s15] =	ssyncset.done $0x0  }
0x95: {  	[sflag:s15] =	ssyncadd.s32 $0xFFFFFFFF  }
0x96: {  	s16 =	sld [smem:$0x11];
	(tm) =	ssettm $0x1  }
0x97: {  	s17 =	sld [smem:$0x3FFB];
	_ =	sdelay $0x3  }
0x98: {  	_ =	strace s17  }
0x99: {  	s3 =	sld [smem:$0x3FFC];
	_ =	sdelay $0x3  }
0x9a: {  	_ =	strace s3  }
0x9b: {  	s3 =	sld [smem:$0x3FFD];
	_ =	sdelay $0x3  }
0x9c: {  	_ =	strace s3  }
0x9d: {  	_ =	strace $0x8FFFFFFF  }
0x9e: {  	s18 =	sld [smem:$0x3FDB];
	_ =	sdelay $0x1  }
0x9f: {  	s19 =	simm.s32 $_scs_section_size  }
0xa0: {  	s5 =	simm.s32 $_size__tile_overlayer_lowered;
	s6 =	simm.s32 $_tile_overlayer_lowered  }
0xa1: {  	s22 =	simm.s32 $0x1BFF;
	s21 =	sshll.u32 s6, $0x1;
	s3 =	sadd.s32 s19, s18  }
0xa2: {  	s7 =	simm.s32 $0x0;
	s20 =	sshll.u32 s5, $0x1;
	s5 =	sadd.s32 s21, s3  }
0xa3: {  	[timem:s7], [sflag:s22] =	dma.local [hbm:s5], s20  }
0xa4: {  	_ =	swait.ge [sflag:s22], s20  }
0xa5: {  	s4 =	ssub.s32 $0x0, s20;
	[sflag:s22] =	ssyncset.done $0x0  }
0xa6: {  	[sflag:s22] =	ssyncadd.s32 s4;
	_ =	sdelay $0x1  }
0xa7: {  	s23 =	simm.s32 $0x1B8B  }
0xa8: {  	_ =	swait.ge [sflag:s23], $0x1  }
0xa9: {  	[sflag:s23] =	ssyncset.done $0x0  }
0xaa: {  	s25 =	simm.s32 $0x1B8E;
	s24 =	sld [smem:$0x3FFE];
	[sflag:s23] =	ssyncadd.s32 $0xFFFFFFFF  }
0xab: {  	s26 =	simm.s32 $execute0_lowered;
	[smem:$0x3FD2] =	sst s25  }
0xac: {  	s5 =	sshll.u32 s26, $0x1;
	_ =	strace $0x80000046;
	[dreg:$0x1] =	wrdreg $0xFFFFFFFF  }
0xad: {  	s28 =	simm.s32 $_size_execute0_lowered;
	s3 =	sadd.s32 s3, s5;
	[dreg:$0x0] =	wrdreg $0x0  }
0xae: {  	s5 =	sshll.u32 s28, $0x1;
	[dreg:$0x2] =	wrdreg s3  }
0xaf: {  	[dreg:$0x3] =	wrdreg s5  }
0xb0: {  	[dreg:$0x4] =	wrdreg $0xC0  }
0xb1: {  	_ =	task [dreg:s7], $0x5FFFF  }
0xb2: {  	[dreg:$0x1] =	wrdreg $0xFFFFFFFF  }
0xb3: {  	[dreg:$0x0] =	wrdreg $0x60  }
0xb4: {  	[dreg:$0x2] =	wrdreg s16  }
0xb5: {  	[dreg:$0x3] =	wrdreg s24  }
0xb6: {  	[dreg:$0x4] =	wrdreg $0x9  }
0xb7: {  	_ =	task.clear_ibuf [dreg:s7], $0x5FFFF;
	_ =	strace $0x90000046  }
0xb8: {  	s29 =	simm.s32 $0x9;
	_ =	strace $0x80000048  }
0xb9: {  	_ =	swait.ge [sflag:s29], $0x1  }
0xba: {  	[sflag:s29] =	ssyncadd.s32 $0xFFFFFFFF  }
0xbb: {  	_ =	strace $0x90000048  }
0xbc: {  	_ =	sfence  }
0xbd: {  	s30 =	sld [smem:$0x0];
	_ =	sdelay $0x2  }
0xbe: {  	s31 =	sshll.u32 s1, $0xD;
	s1 =	sshrl.u32 s1, $0x2  }
0xbf: {  	s3 =	sand.u32 $0x4000, s31;
	s1 =	sadd.s32 s1, s30  }
0xc0: {  	s0 =	sor.u32 s3, s0;
	s1 =	sshll.u32 s1, $0x11  }
0xc1: {  	s0 =	sor.u32 s1, s0  }
0xc2: {  	s0 =	sadd.s32 $0x8F2B, s0  }
0xc3: {  	[sflag:s0] =	ssyncadd.remote.s32 $0x1  }
0xc4: {  	_ =	sfence.sel $0xFFFF  }
0xc5: {  	[dreg:$0x0] =	wrdreg $0xFFFFFFFF;
	(pc) =	sbr.abs _section_cstart, $3  }
0xc6: {  	[dreg:$0x1] =	wrdreg $0xFFFFFFFF  }
0xc7: {  	_ =	task.clear_ibuf [dreg:s7], $0x2FFFF;
	_ =	strace $0x9FFFFFFF  }
0xc8: {  	(tm) =	ssettm $0x7FFFFFFF  }
0xc9: {  	_ =	shalt  }
tec
execute0_lowered:
.L_overlay_start_1:
0x0: {  	(tag) =	ssettag $0x1  }
0x1: {  	s1 =	rddreg [dreg:$0x0]  }
0x2: {  	s4 =	rddreg [dreg:$0x1]  }
0x3: {  	s0 =	rddreg [dreg:$0x2];
	s5 =	srdreg.scid  }
0x4: {  	s3 =	simm.s32 $0x0;
	s2 =	stileid.u32;
	s10 =	simm.s32 $0x0  }
0x5: {  	s5 =	sand.u32 $0x1, s5;
	[smem:$0x7FF] =	sst s3;
	s6 =	sshll.u32 s2, $0xF  }
0x6: {  	s8 =	sshll.u32 s2, $0x13;
	s7 =	sshll.u32 s5, $0xE;
	_ =	strace $0x80000047  }
0x7: {  	s31 =	ssub.s32 $0x2, s5;
	s8 =	sadd.s32 s8, s4;
	s5 =	sshll.u32 s5, $0x12  }
0x8: {  	s6 =	sor.u32 s7, s6;
	s9 =	sshrl.u32 s31, $0x1;
	s5 =	sadd.s32 s5, s8  }
0x9: {  	s8 =	simm.s32 $0x80;
	s6 =	sshrl.u32 s6, $0x3;
	s7 =	ssub.s32 s31, s9  }
0xa: {  	s5 =	sadd.s32 $0x93E00, s5;
	s9 =	simm.s32 $0x1;
	s6 =	sadd.s32 s6, s4  }
0xb: {  	s4 =	smax.u32 s7, $0x1;
	s7 =	simm.s32 $0x2;
	s6 =	sadd.s32 $0x83E00, s6  }
.LBB2_1:
0xc: {  	s11 =	sadd.s32 $0x0, s6  }
0xd: {  	[tilespmem:s3], [sflag:$0x2] =	stream.linear.gather [hbm4b:s11+s3], $0x80, $0x38;
	[tilespmem:$0x4080] =	vst v63  }
0xe: {  	_ =	swait.ge [sflag:s7], $0x80  }
0xf: {  	[sflag:s7] =	ssyncset.done $0x0  }
0x10: {  	[sflag:s7] =	ssyncadd.s32 $0xFFFFFF80  }
0x11: {  	[tilespmem:s8], [sflag:$0x1] =	stream.indirect.gather [hbm4b:s1+s8], $0x80, s3, s8, $0xb8;
	[tilespmem:$0x4080] =	vst v63  }
0x12: {  	_ =	swait.ge [sflag:s9], $0x4000  }
0x13: {  	[sflag:s9] =	ssyncset.done $0x0  }
0x14: {  	[sflag:s9] =	ssyncadd.s32 $0xFFFFC000  }
0x15: {  	[hbm4b:s5+s3] =	stream.linear.scatter [tilespmem:s8], [sflag:$0x2], $0x4000, $0x38;
	[tilespmem:$0x4080] =	vst v63  }
0x16: {  	s12 =	simm.s32 $0x10;
	_ =	swait.ge [sflag:s7], $0x4000  }
0x17: {  	s13 =	simm.s32 $0x20;
	s11 =	sadd.s32 $0x800, s5;
	[sflag:s7] =	ssyncset.done $0x0  }
.LBB2_2:
0x18: {  	s14 =	sadd.s32 s12, s6  }
0x19: {  	[sflag:s7] =	ssyncadd.s32 $0xFFFFC000;
	s12 =	smov.u32 s13;
	s15 =	sadd.s32 $0x10, s13  }
0x1a: {  	[tilespmem:s3], [sflag:$0x2] =	stream.linear.gather [hbm4b:s14+s3], $0x80, $0x38;
	[tilespmem:$0x4080] =	vst v63  }
0x1b: {  	p0 =	sne.s32 s13, $0x7F0;
	_ =	swait.ge [sflag:s7], $0x80  }
0x1c: {  	[sflag:s7] =	ssyncset.done $0x0  }
0x1d: {  	[sflag:s7] =	ssyncadd.s32 $0xFFFFFF80  }
0x1e: {  	[tilespmem:s8], [sflag:$0x1] =	stream.indirect.gather [hbm4b:s1+s8], $0x80, s3, s8, $0xb8;
	[tilespmem:$0x4080] =	vst v63  }
0x1f: {  	_ =	swait.ge [sflag:s9], $0x4000  }
.Ltmp0:
0x20: {  	[sflag:s9] =	ssyncset.done $0x0;
	(pc) =	sbr.rel @p0 .LBB2_2-.Ltmp0, $4  }
0x21: {  	[sflag:s9] =	ssyncadd.s32 $0xFFFFC000  }
0x22: {  	[hbm4b:s11+s3] =	stream.linear.scatter [tilespmem:s8], [sflag:$0x2], $0x4000, $0x38;
	[tilespmem:$0x4080] =	vst v63  }
0x23: {  	_ =	swait.ge [sflag:s7], $0x4000  }
0x24: {  	s13 =	smov.u32 s15;
	s11 =	sadd.s32 $0x800, s11;
	[sflag:s7] =	ssyncset.done $0x0  }
0x25: {  	s12 =	sadd.s32 s12, s6;
	[sflag:s7] =	ssyncadd.s32 $0xFFFFC000  }
0x26: {  	[tilespmem:s3], [sflag:$0x2] =	stream.linear.gather [hbm4b:s12+s3], $0x80, $0x38;
	[tilespmem:$0x4080] =	vst v63  }
0x27: {  	_ =	swait.ge [sflag:s7], $0x80  }
0x28: {  	[sflag:s7] =	ssyncset.done $0x0  }
0x29: {  	[sflag:s7] =	ssyncadd.s32 $0xFFFFFF80  }
0x2a: {  	[tilespmem:s8], [sflag:$0x1] =	stream.indirect.gather [hbm4b:s1+s8], $0x80, s3, s8, $0xb8;
	[tilespmem:$0x4080] =	vst v63  }
0x2b: {  	s10 =	sadd.s32 $0x1, s10;
	_ =	swait.ge [sflag:s9], $0x4000  }
0x2c: {  	p0 =	sne.s32 s10, s4;
	[sflag:s9] =	ssyncset.done $0x0  }
.Ltmp1:
0x2d: {  	[sflag:s9] =	ssyncadd.s32 $0xFFFFC000;
	(pc) =	sbr.rel @p0 .LBB2_1-.Ltmp1, $4  }
0x2e: {  	[hbm4b:s11+s3] =	stream.linear.scatter [tilespmem:s8], [sflag:$0x2], $0x4000, $0x38;
	[tilespmem:$0x4080] =	vst v63  }
0x2f: {  	_ =	swait.ge [sflag:s7], $0x4000  }
0x30: {  	[sflag:s7] =	ssyncset.done $0x0  }
0x31: {  	[sflag:s7] =	ssyncadd.s32 $0xFFFFC000  }
0x32: {  	_ =	sfence.sel $0x180000  }
0x33: {  	[bflag:$0x0] =	sbarrier.arrive $0xFFFF  }
0x34: {  	p0 =	sne.s32 s2, $0x0;
	_ =	strace $0x90000047  }
0x35: {  	s0 =	sadd.s32 @!p0 $0x100000, s0;
	[bflag:$0x2] =	sbarrier.arrive $0xFFFF  }
0x36: {  	[sflag:s0] =	ssyncadd.tile.s32 @!p0 $0x1;
	_ =	shalt  }
.Lfunc_end2:
_tile_overlayer_lowered:
.L_overlay_start_2:
0x37: {  	(tag) =	ssettag $0x2  }
0x38: {  	s0 =	rddreg [dreg:$0x0];
	s2 =	stileid.u32  }
0x39: {  	s1 =	rddreg [dreg:$0x1];
	p0 =	sne.s32 s2, $0x0  }
0x3a: {  	s3 =	rddreg [dreg:$0x2];
	[bflag:$0x3] =	sbarrier.arrive $0xFFFF;
	s2 =	simm.s32 @!p0 $0x1C02  }
0x3b: {  	[timem:s3], [sflag:s2] =	dma.local @!p0 [hbm:s0], s1  }
0x3c: {  	s0 =	simm.s32 @!p0 $0x2  }
0x3d: {  	_ =	swait.ge @!p0 [sflag:s0], s1  }
0x3e: {  	s1 =	ssub.s32 @!p0 $0x0, s1;
	[sflag:s0] =	ssyncset.done @!p0 $0x0  }
0x3f: {  	[sflag:s0] =	ssyncadd.s32 @!p0 s1  }
0x40: {  	[bflag:$0x3] =	sbarrier.arrive $0xFFFF  }
0x41: {  	_ =	shalt  }

</sc_bundles>
